<compile_context>
chip_gen: v7x
topology: tpu7x:2x2x1
jax: 0.10.2.dev20260603
libtpu: 0.0.44.dev20260713+nightly
codegen_flags: <defaults>
</compile_context>

<pallas_src>
import functools

import jax
import jax.numpy as jnp
import numpy as np
from jax import lax
from jax.experimental import pallas as pl
from jax.experimental.pallas import tpu as pltpu
from jax.experimental.pallas import tpu_sc as plsc

_BATCH = 16384
_N_FIELDS = 26
_EMBED_DIM = 32
_VOCAB_FIELD = 100000
_VOCAB = _N_FIELDS * _VOCAB_FIELD
_N = _BATCH * _N_FIELDS
_NC = 2
_NS = 16
_NW = _NC * _NS
_PER_W = _N // _NW
_IDX_ROWS = _PER_W // 128
_CHUNK = 1024
_GATHERS = _CHUNK // 128
_NCHUNKS = _PER_W // _CHUNK

_TLIN_ROWS = _VOCAB * _EMBED_DIM // 128

_p = np.arange(_PER_W, dtype=np.int64)
_lb = _p // _N_FIELDS
_f = _p % _N_FIELDS
_SRC = ((_f // 8) * 4096 + (_lb // 128) * 1024 + (_f % 8) * 128
        + (_lb % 128)).astype(np.int32).reshape(_IDX_ROWS, 128)
_OFF = (_f * _VOCAB_FIELD).astype(np.int32).reshape(_IDX_ROWS, 128)

_mesh = plsc.VectorSubcoreMesh(core_axis_name="c", subcore_axis_name="s")


_TBLK = 8192
_TGRID = -(-_VOCAB // _TBLK)


def _tc_transpose_body(in_ref, out_ref):
    xt = in_ref[...].T.reshape(_TBLK // 4, 4, _EMBED_DIM)
    for q in range(4):
        out_ref[:, q * _EMBED_DIM:(q + 1) * _EMBED_DIM] = xt[:, q, :]


_tc_transpose = pl.pallas_call(
    _tc_transpose_body,
    grid=(_TGRID,),
    in_specs=[pl.BlockSpec((_EMBED_DIM, _TBLK), lambda i: (0, i))],
    out_specs=pl.BlockSpec((_TBLK // 4, 128), lambda i: (i, 0)),
    out_shape=jax.ShapeDtypeStruct((_TLIN_ROWS, 128), jnp.float32),
)


@functools.partial(
    pl.kernel,
    out_type=jax.ShapeDtypeStruct((_N, _EMBED_DIM), jnp.float32),
    mesh=_mesh,
    scratch_types=[
        pltpu.VMEM((128, 128), jnp.int32),
        pltpu.VMEM((_IDX_ROWS, 128), jnp.int32),
        pltpu.VMEM((_IDX_ROWS, 128), jnp.int32),
        pltpu.VMEM((_IDX_ROWS, 128), jnp.int32),
        pltpu.VMEM((_CHUNK, _EMBED_DIM), jnp.float32),
        pltpu.SemaphoreType.DMA,
        pltpu.SemaphoreType.DMA,
    ],
    compiler_params=pltpu.CompilerParams(
        use_tc_tiling_on_sc=False, needs_layout_passes=False
    ),
)
def _embed_kernel(x4_hbm, src_hbm, off_hbm, table_hbm, out_hbm,
                  x_raw, m_v, off_v, idx_v, buf_v, ssem, gsem):
    wid = lax.axis_index("s") * _NC + lax.axis_index("c")
    base = wid * _PER_W

    for f_hi in range(4):
        for bh in range(4):
            r0 = (f_hi * 128 + wid * 4 + bh) * 8
            pltpu.async_copy(
                x4_hbm.at[pl.ds(r0, 8)],
                x_raw.at[pl.ds(f_hi * 32 + bh * 8, 8)],
                ssem,
            )
    pltpu.sync_copy(src_hbm, m_v)
    pltpu.sync_copy(off_hbm, off_v)
    pltpu.make_async_copy(x4_hbm.at[pl.ds(0, 128)], x_raw, ssem).wait()

    def _build(r, carry):
        for c in range(8):
            sl = pl.ds(c * 16, 16)
            m = m_v[r, sl]
            v = plsc.load_gather(x_raw, [m >> 7, m & 127])
            idx_v[r, sl] = v + off_v[r, sl]
        return carry

    lax.fori_loop(0, _IDX_ROWS, _build, 0)

    def _chunk(ci, carry):
        for j in range(_GATHERS):
            pltpu.async_copy(
                table_hbm.at[idx_v.at[ci * _GATHERS + j]],
                buf_v.at[pl.ds(j * 128, 128)],
                gsem,
            )
        pltpu.make_async_copy(
            table_hbm.at[pl.ds(0, _CHUNK)], buf_v, gsem
        ).wait()
        pltpu.sync_copy(buf_v, out_hbm.at[pl.ds(base + ci * _CHUNK, _CHUNK)])
        return carry

    lax.fori_loop(0, _NCHUNKS, _chunk, 0)


def kernel(x, embedding_table):
    t_lin = _tc_transpose(embedding_table.T)
    t_rm = t_lin.reshape(_VOCAB, _EMBED_DIM)
    y = jnp.pad(x.T, ((0, 32 - _N_FIELDS), (0, 0)))
    x4 = y.reshape(4, 8, 128, 128).transpose(0, 2, 1, 3).reshape(4096, 128)
    out = _embed_kernel(x4, jnp.asarray(_SRC), jnp.asarray(_OFF), t_rm)
    return out.reshape(_BATCH, _N_FIELDS, _EMBED_DIM)

# --- scband reference (transcript-rebuilt; emitter-appended) ---
"""Pipeline reference for scband-embedding-layer-65944927863114 (READ-ONLY COPY).

The authoritative reference and input builder live on the scoring server;
editing this copy changes nothing except your own understanding.
"""

import jax, jax.numpy as jnp
import numpy as np

VOCAB_SIZES = [100000] * 26
EMBED_DIM = 32
TOTAL_VOCAB = int(sum(VOCAB_SIZES))
BATCH = 16384
N_FIELDS = 26


def setup_inputs(seed: int = 0) -> dict:
    key = jax.random.key(seed)
    k1, k2 = jax.random.split(key)
    x = jax.random.randint(k1, (BATCH, N_FIELDS), 0, 100000, dtype=jnp.int32)
    stddev = 1.0 / np.sqrt(TOTAL_VOCAB)
    embedding_table = jax.random.truncated_normal(
        k2, -2.0, 2.0, (TOTAL_VOCAB, EMBED_DIM), dtype=jnp.float32) * stddev
    return {"x": x, "embedding_table": embedding_table}


def reference(x, embedding_table):
    vocab_sizes = jnp.array(VOCAB_SIZES, dtype=jnp.int32)
    offsets = jnp.concatenate([
        jnp.zeros((1,), dtype=jnp.int32),
        jnp.cumsum(vocab_sizes)[:-1].astype(jnp.int32),
    ])
    indices = x + offsets[None, :]
    return jnp.take(embedding_table, indices, axis=0)

if __name__ == "__main__":
    import jax
    _d = setup_inputs()
    print(jax.jit(kernel)(*tuple(_d.values())))

</pallas_src>

<mosaic_0001>
#map = affine_map<(d0, d1) -> (0, 0)>
module attributes {stable_mosaic.version = 14 : i64} {
  func.func @_embed_kernel(%arg0: i32, %arg1: i32, %arg2: memref<4096x128xi32, #tpu.memory_space<hbm>>, %arg3: memref<104x128xi32, #tpu.memory_space<hbm>>, %arg4: memref<104x128xi32, #tpu.memory_space<hbm>>, %arg5: memref<2600000x32xf32, #tpu.memory_space<hbm>>, %arg6: memref<425984x32xf32, #tpu.memory_space<hbm>>, %arg7: memref<128x128xi32, #tpu.memory_space<vmem>>, %arg8: memref<104x128xi32, #tpu.memory_space<vmem>>, %arg9: memref<104x128xi32, #tpu.memory_space<vmem>>, %arg10: memref<104x128xi32, #tpu.memory_space<vmem>>, %arg11: memref<1024x32xf32, #tpu.memory_space<vmem>>, %arg12: memref<!tpu.dma_semaphore, #tpu.memory_space<semaphore_mem>>, %arg13: memref<!tpu.dma_semaphore, #tpu.memory_space<semaphore_mem>>) attributes {dimension_semantics = [#tpu.dimension_semantics<core_parallel>, #tpu.dimension_semantics<subcore_parallel>], iteration_bounds = array<i64: 2, 16>, scalar_prefetch = 0 : i64, scratch_operands = 7 : i64, tpu.core_type = #tpu.core_type<sc_vector_subcore>, window_params = [{transform_indices = #map}, {transform_indices = #map}, {transform_indices = #map}, {transform_indices = #map}, {transform_indices = #map}]} {
    %mul3A = arith.constant 2 : i32
    %mul3A_0 = arith.muli %arg1, %mul3A : i32
    %add3A = arith.addi %mul3A_0, %arg0 : i32
    %mul3A_1 = arith.constant 13312 : i32
    %mul3A_2 = arith.muli %add3A, %mul3A_1 : i32
    %mul3A_3 = arith.constant 4 : i32
    %mul3A_4 = arith.muli %add3A, %mul3A_3 : i32
    %add3A_5 = arith.constant 0 : i32
    %add3A_6 = arith.addi %add3A_5, %mul3A_4 : i32
    %add3A_7 = arith.constant 0 : i32
    %add3A_8 = arith.addi %add3A_6, %add3A_7 : i32
    %mul3A_9 = arith.constant 8 : i32
    %mul3A_10 = arith.muli %add3A_8, %mul3A_9 : i32
    %dma_start3A = arith.constant 0 : i32
    %dma_start3A_11 = arith.constant 0 : i32
    %dma_start3A_12 = tpu.memref_slice %arg7[%dma_start3A, %dma_start3A_11] : memref<128x128xi32, #tpu.memory_space<vmem>> -> memref<8x128xi32, #tpu.memory_space<vmem>>
    %dma_start3A_13 = arith.constant 0 : i32
    %dma_start3A_14 = tpu.memref_slice %arg2[%mul3A_10, %dma_start3A_13] : memref<4096x128xi32, #tpu.memory_space<hbm>> -> memref<8x128xi32, #tpu.memory_space<hbm>>
    %dma_start3A_15 = arith.constant 0 : i32
    %dma_start3A_16 = arith.constant 0 : i32
    %dma_start3A_17 = tpu.memref_slice %arg7[%dma_start3A_15, %dma_start3A_16] : memref<128x128xi32, #tpu.memory_space<vmem>> -> memref<8x128xi32, #tpu.memory_space<vmem>>
    %dma_start3A_18 = arith.constant 0 : i32
    %dma_start3A_19 = tpu.memref_slice %arg2[%mul3A_10, %dma_start3A_18] : memref<4096x128xi32, #tpu.memory_space<hbm>> -> memref<8x128xi32, #tpu.memory_space<hbm>>
    tpu.enqueue_dma source(%dma_start3A_19 : memref<8x128xi32, #tpu.memory_space<hbm>>) target(%dma_start3A_17 : memref<8x128xi32, #tpu.memory_space<vmem>>) target_semaphore(%arg12 : memref<!tpu.dma_semaphore, #tpu.memory_space<semaphore_mem>>)
    %mul3A_20 = arith.constant 4 : i32
    %mul3A_21 = arith.muli %add3A, %mul3A_20 : i32
    %add3A_22 = arith.constant 0 : i32
    %add3A_23 = arith.addi %add3A_22, %mul3A_21 : i32
    %add3A_24 = arith.constant 1 : i32
    %add3A_25 = arith.addi %add3A_23, %add3A_24 : i32
    %mul3A_26 = arith.constant 8 : i32
    %mul3A_27 = arith.muli %add3A_25, %mul3A_26 : i32
    %dma_start3A_28 = arith.constant 8 : i32
    %dma_start3A_29 = arith.constant 0 : i32
    %dma_start3A_30 = tpu.memref_slice %arg7[%dma_start3A_28, %dma_start3A_29] : memref<128x128xi32, #tpu.memory_space<vmem>> -> memref<8x128xi32, #tpu.memory_space<vmem>>
    %dma_start3A_31 = arith.constant 0 : i32
    %dma_start3A_32 = tpu.memref_slice %arg2[%mul3A_27, %dma_start3A_31] : memref<4096x128xi32, #tpu.memory_space<hbm>> -> memref<8x128xi32, #tpu.memory_space<hbm>>
    %dma_start3A_33 = arith.constant 8 : i32
    %dma_start3A_34 = arith.constant 0 : i32
    %dma_start3A_35 = tpu.memref_slice %arg7[%dma_start3A_33, %dma_start3A_34] : memref<128x128xi32, #tpu.memory_space<vmem>> -> memref<8x128xi32, #tpu.memory_space<vmem>>
    %dma_start3A_36 = arith.constant 0 : i32
    %dma_start3A_37 = tpu.memref_slice %arg2[%mul3A_27, %dma_start3A_36] : memref<4096x128xi32, #tpu.memory_space<hbm>> -> memref<8x128xi32, #tpu.memory_space<hbm>>
    tpu.enqueue_dma source(%dma_start3A_37 : memref<8x128xi32, #tpu.memory_space<hbm>>) target(%dma_start3A_35 : memref<8x128xi32, #tpu.memory_space<vmem>>) target_semaphore(%arg12 : memref<!tpu.dma_semaphore, #tpu.memory_space<semaphore_mem>>)
    %mul3A_38 = arith.constant 4 : i32
    %mul3A_39 = arith.muli %add3A, %mul3A_38 : i32
    %add3A_40 = arith.constant 0 : i32
    %add3A_41 = arith.addi %add3A_40, %mul3A_39 : i32
    %add3A_42 = arith.constant 2 : i32
    %add3A_43 = arith.addi %add3A_41, %add3A_42 : i32
    %mul3A_44 = arith.constant 8 : i32
    %mul3A_45 = arith.muli %add3A_43, %mul3A_44 : i32
    %dma_start3A_46 = arith.constant 16 : i32
    %dma_start3A_47 = arith.constant 0 : i32
    %dma_start3A_48 = tpu.memref_slice %arg7[%dma_start3A_46, %dma_start3A_47] : memref<128x128xi32, #tpu.memory_space<vmem>> -> memref<8x128xi32, #tpu.memory_space<vmem>>
    %dma_start3A_49 = arith.constant 0 : i32
    %dma_start3A_50 = tpu.memref_slice %arg2[%mul3A_45, %dma_start3A_49] : memref<4096x128xi32, #tpu.memory_space<hbm>> -> memref<8x128xi32, #tpu.memory_space<hbm>>
    %dma_start3A_51 = arith.constant 16 : i32
    %dma_start3A_52 = arith.constant 0 : i32
    %dma_start3A_53 = tpu.memref_slice %arg7[%dma_start3A_51, %dma_start3A_52] : memref<128x128xi32, #tpu.memory_space<vmem>> -> memref<8x128xi32, #tpu.memory_space<vmem>>
    %dma_start3A_54 = arith.constant 0 : i32
    %dma_start3A_55 = tpu.memref_slice %arg2[%mul3A_45, %dma_start3A_54] : memref<4096x128xi32, #tpu.memory_space<hbm>> -> memref<8x128xi32, #tpu.memory_space<hbm>>
    tpu.enqueue_dma source(%dma_start3A_55 : memref<8x128xi32, #tpu.memory_space<hbm>>) target(%dma_start3A_53 : memref<8x128xi32, #tpu.memory_space<vmem>>) target_semaphore(%arg12 : memref<!tpu.dma_semaphore, #tpu.memory_space<semaphore_mem>>)
    %mul3A_56 = arith.constant 4 : i32
    %mul3A_57 = arith.muli %add3A, %mul3A_56 : i32
    %add3A_58 = arith.constant 0 : i32
    %add3A_59 = arith.addi %add3A_58, %mul3A_57 : i32
    %add3A_60 = arith.constant 3 : i32
    %add3A_61 = arith.addi %add3A_59, %add3A_60 : i32
    %mul3A_62 = arith.constant 8 : i32
    %mul3A_63 = arith.muli %add3A_61, %mul3A_62 : i32
    %dma_start3A_64 = arith.constant 24 : i32
    %dma_start3A_65 = arith.constant 0 : i32
    %dma_start3A_66 = tpu.memref_slice %arg7[%dma_start3A_64, %dma_start3A_65] : memref<128x128xi32, #tpu.memory_space<vmem>> -> memref<8x128xi32, #tpu.memory_space<vmem>>
    %dma_start3A_67 = arith.constant 0 : i32
    %dma_start3A_68 = tpu.memref_slice %arg2[%mul3A_63, %dma_start3A_67] : memref<4096x128xi32, #tpu.memory_space<hbm>> -> memref<8x128xi32, #tpu.memory_space<hbm>>
    %dma_start3A_69 = arith.constant 24 : i32
    %dma_start3A_70 = arith.constant 0 : i32
    %dma_start3A_71 = tpu.memref_slice %arg7[%dma_start3A_69, %dma_start3A_70] : memref<128x128xi32, #tpu.memory_space<vmem>> -> memref<8x128xi32, #tpu.memory_space<vmem>>
    %dma_start3A_72 = arith.constant 0 : i32
    %dma_start3A_73 = tpu.memref_slice %arg2[%mul3A_63, %dma_start3A_72] : memref<4096x128xi32, #tpu.memory_space<hbm>> -> memref<8x128xi32, #tpu.memory_space<hbm>>
    tpu.enqueue_dma source(%dma_start3A_73 : memref<8x128xi32, #tpu.memory_space<hbm>>) target(%dma_start3A_71 : memref<8x128xi32, #tpu.memory_space<vmem>>) target_semaphore(%arg12 : memref<!tpu.dma_semaphore, #tpu.memory_space<semaphore_mem>>)
    %mul3A_74 = arith.constant 4 : i32
    %mul3A_75 = arith.muli %add3A, %mul3A_74 : i32
    %add3A_76 = arith.constant 128 : i32
    %add3A_77 = arith.addi %add3A_76, %mul3A_75 : i32
    %add3A_78 = arith.constant 0 : i32
    %add3A_79 = arith.addi %add3A_77, %add3A_78 : i32
    %mul3A_80 = arith.constant 8 : i32
    %mul3A_81 = arith.muli %add3A_79, %mul3A_80 : i32
    %dma_start3A_82 = arith.constant 32 : i32
    %dma_start3A_83 = arith.constant 0 : i32
    %dma_start3A_84 = tpu.memref_slice %arg7[%dma_start3A_82, %dma_start3A_83] : memref<128x128xi32, #tpu.memory_space<vmem>> -> memref<8x128xi32, #tpu.memory_space<vmem>>
    %dma_start3A_85 = arith.constant 0 : i32
    %dma_start3A_86 = tpu.memref_slice %arg2[%mul3A_81, %dma_start3A_85] : memref<4096x128xi32, #tpu.memory_space<hbm>> -> memref<8x128xi32, #tpu.memory_space<hbm>>
    %dma_start3A_87 = arith.constant 32 : i32
    %dma_start3A_88 = arith.constant 0 : i32
    %dma_start3A_89 = tpu.memref_slice %arg7[%dma_start3A_87, %dma_start3A_88] : memref<128x128xi32, #tpu.memory_space<vmem>> -> memref<8x128xi32, #tpu.memory_space<vmem>>
    %dma_start3A_90 = arith.constant 0 : i32
    %dma_start3A_91 = tpu.memref_slice %arg2[%mul3A_81, %dma_start3A_90] : memref<4096x128xi32, #tpu.memory_space<hbm>> -> memref<8x128xi32, #tpu.memory_space<hbm>>
    tpu.enqueue_dma source(%dma_start3A_91 : memref<8x128xi32, #tpu.memory_space<hbm>>) target(%dma_start3A_89 : memref<8x128xi32, #tpu.memory_space<vmem>>) target_semaphore(%arg12 : memref<!tpu.dma_semaphore, #tpu.memory_space<semaphore_mem>>)
    %mul3A_92 = arith.constant 4 : i32
    %mul3A_93 = arith.muli %add3A, %mul3A_92 : i32
    %add3A_94 = arith.constant 128 : i32
    %add3A_95 = arith.addi %add3A_94, %mul3A_93 : i32
    %add3A_96 = arith.constant 1 : i32
    %add3A_97 = arith.addi %add3A_95, %add3A_96 : i32
    %mul3A_98 = arith.constant 8 : i32
    %mul3A_99 = arith.muli %add3A_97, %mul3A_98 : i32
    %dma_start3A_100 = arith.constant 40 : i32
    %dma_start3A_101 = arith.constant 0 : i32
    %dma_start3A_102 = tpu.memref_slice %arg7[%dma_start3A_100, %dma_start3A_101] : memref<128x128xi32, #tpu.memory_space<vmem>> -> memref<8x128xi32, #tpu.memory_space<vmem>>
    %dma_start3A_103 = arith.constant 0 : i32
    %dma_start3A_104 = tpu.memref_slice %arg2[%mul3A_99, %dma_start3A_103] : memref<4096x128xi32, #tpu.memory_space<hbm>> -> memref<8x128xi32, #tpu.memory_space<hbm>>
    %dma_start3A_105 = arith.constant 40 : i32
    %dma_start3A_106 = arith.constant 0 : i32
    %dma_start3A_107 = tpu.memref_slice %arg7[%dma_start3A_105, %dma_start3A_106] : memref<128x128xi32, #tpu.memory_space<vmem>> -> memref<8x128xi32, #tpu.memory_space<vmem>>
    %dma_start3A_108 = arith.constant 0 : i32
    %dma_start3A_109 = tpu.memref_slice %arg2[%mul3A_99, %dma_start3A_108] : memref<4096x128xi32, #tpu.memory_space<hbm>> -> memref<8x128xi32, #tpu.memory_space<hbm>>
    tpu.enqueue_dma source(%dma_start3A_109 : memref<8x128xi32, #tpu.memory_space<hbm>>) target(%dma_start3A_107 : memref<8x128xi32, #tpu.memory_space<vmem>>) target_semaphore(%arg12 : memref<!tpu.dma_semaphore, #tpu.memory_space<semaphore_mem>>)
    %mul3A_110 = arith.constant 4 : i32
    %mul3A_111 = arith.muli %add3A, %mul3A_110 : i32
    %add3A_112 = arith.constant 128 : i32
    %add3A_113 = arith.addi %add3A_112, %mul3A_111 : i32
    %add3A_114 = arith.constant 2 : i32
    %add3A_115 = arith.addi %add3A_113, %add3A_114 : i32
    %mul3A_116 = arith.constant 8 : i32
    %mul3A_117 = arith.muli %add3A_115, %mul3A_116 : i32
    %dma_start3A_118 = arith.constant 48 : i32
    %dma_start3A_119 = arith.constant 0 : i32
    %dma_start3A_120 = tpu.memref_slice %arg7[%dma_start3A_118, %dma_start3A_119] : memref<128x128xi32, #tpu.memory_space<vmem>> -> memref<8x128xi32, #tpu.memory_space<vmem>>
    %dma_start3A_121 = arith.constant 0 : i32
    %dma_start3A_122 = tpu.memref_slice %arg2[%mul3A_117, %dma_start3A_121] : memref<4096x128xi32, #tpu.memory_space<hbm>> -> memref<8x128xi32, #tpu.memory_space<hbm>>
    %dma_start3A_123 = arith.constant 48 : i32
    %dma_start3A_124 = arith.constant 0 : i32
    %dma_start3A_125 = tpu.memref_slice %arg7[%dma_start3A_123, %dma_start3A_124] : memref<128x128xi32, #tpu.memory_space<vmem>> -> memref<8x128xi32, #tpu.memory_space<vmem>>
    %dma_start3A_126 = arith.constant 0 : i32
    %dma_start3A_127 = tpu.memref_slice %arg2[%mul3A_117, %dma_start3A_126] : memref<4096x128xi32, #tpu.memory_space<hbm>> -> memref<8x128xi32, #tpu.memory_space<hbm>>
    tpu.enqueue_dma source(%dma_start3A_127 : memref<8x128xi32, #tpu.memory_space<hbm>>) target(%dma_start3A_125 : memref<8x128xi32, #tpu.memory_space<vmem>>) target_semaphore(%arg12 : memref<!tpu.dma_semaphore, #tpu.memory_space<semaphore_mem>>)
    %mul3A_128 = arith.constant 4 : i32
    %mul3A_129 = arith.muli %add3A, %mul3A_128 : i32
    %add3A_130 = arith.constant 128 : i32
    %add3A_131 = arith.addi %add3A_130, %mul3A_129 : i32
    %add3A_132 = arith.constant 3 : i32
    %add3A_133 = arith.addi %add3A_131, %add3A_132 : i32
    %mul3A_134 = arith.constant 8 : i32
    %mul3A_135 = arith.muli %add3A_133, %mul3A_134 : i32
    %dma_start3A_136 = arith.constant 56 : i32
    %dma_start3A_137 = arith.constant 0 : i32
    %dma_start3A_138 = tpu.memref_slice %arg7[%dma_start3A_136, %dma_start3A_137] : memref<128x128xi32, #tpu.memory_space<vmem>> -> memref<8x128xi32, #tpu.memory_space<vmem>>
    %dma_start3A_139 = arith.constant 0 : i32
    %dma_start3A_140 = tpu.memref_slice %arg2[%mul3A_135, %dma_start3A_139] : memref<4096x128xi32, #tpu.memory_space<hbm>> -> memref<8x128xi32, #tpu.memory_space<hbm>>
    %dma_start3A_141 = arith.constant 56 : i32
    %dma_start3A_142 = arith.constant 0 : i32
    %dma_start3A_143 = tpu.memref_slice %arg7[%dma_start3A_141, %dma_start3A_142] : memref<128x128xi32, #tpu.memory_space<vmem>> -> memref<8x128xi32, #tpu.memory_space<vmem>>
    %dma_start3A_144 = arith.constant 0 : i32
    %dma_start3A_145 = tpu.memref_slice %arg2[%mul3A_135, %dma_start3A_144] : memref<4096x128xi32, #tpu.memory_space<hbm>> -> memref<8x128xi32, #tpu.memory_space<hbm>>
    tpu.enqueue_dma source(%dma_start3A_145 : memref<8x128xi32, #tpu.memory_space<hbm>>) target(%dma_start3A_143 : memref<8x128xi32, #tpu.memory_space<vmem>>) target_semaphore(%arg12 : memref<!tpu.dma_semaphore, #tpu.memory_space<semaphore_mem>>)
    %mul3A_146 = arith.constant 4 : i32
    %mul3A_147 = arith.muli %add3A, %mul3A_146 : i32
    %add3A_148 = arith.constant 256 : i32
    %add3A_149 = arith.addi %add3A_148, %mul3A_147 : i32
    %add3A_150 = arith.constant 0 : i32
    %add3A_151 = arith.addi %add3A_149, %add3A_150 : i32
    %mul3A_152 = arith.constant 8 : i32
    %mul3A_153 = arith.muli %add3A_151, %mul3A_152 : i32
    %dma_start3A_154 = arith.constant 64 : i32
    %dma_start3A_155 = arith.constant 0 : i32
    %dma_start3A_156 = tpu.memref_slice %arg7[%dma_start3A_154, %dma_start3A_155] : memref<128x128xi32, #tpu.memory_space<vmem>> -> memref<8x128xi32, #tpu.memory_space<vmem>>
    %dma_start3A_157 = arith.constant 0 : i32
    %dma_start3A_158 = tpu.memref_slice %arg2[%mul3A_153, %dma_start3A_157] : memref<4096x128xi32, #tpu.memory_space<hbm>> -> memref<8x128xi32, #tpu.memory_space<hbm>>
    %dma_start3A_159 = arith.constant 64 : i32
    %dma_start3A_160 = arith.constant 0 : i32
    %dma_start3A_161 = tpu.memref_slice %arg7[%dma_start3A_159, %dma_start3A_160] : memref<128x128xi32, #tpu.memory_space<vmem>> -> memref<8x128xi32, #tpu.memory_space<vmem>>
    %dma_start3A_162 = arith.constant 0 : i32
    %dma_start3A_163 = tpu.memref_slice %arg2[%mul3A_153, %dma_start3A_162] : memref<4096x128xi32, #tpu.memory_space<hbm>> -> memref<8x128xi32, #tpu.memory_space<hbm>>
    tpu.enqueue_dma source(%dma_start3A_163 : memref<8x128xi32, #tpu.memory_space<hbm>>) target(%dma_start3A_161 : memref<8x128xi32, #tpu.memory_space<vmem>>) target_semaphore(%arg12 : memref<!tpu.dma_semaphore, #tpu.memory_space<semaphore_mem>>)
    %mul3A_164 = arith.constant 4 : i32
    %mul3A_165 = arith.muli %add3A, %mul3A_164 : i32
    %add3A_166 = arith.constant 256 : i32
    %add3A_167 = arith.addi %add3A_166, %mul3A_165 : i32
    %add3A_168 = arith.constant 1 : i32
    %add3A_169 = arith.addi %add3A_167, %add3A_168 : i32
    %mul3A_170 = arith.constant 8 : i32
    %mul3A_171 = arith.muli %add3A_169, %mul3A_170 : i32
    %dma_start3A_172 = arith.constant 72 : i32
    %dma_start3A_173 = arith.constant 0 : i32
    %dma_start3A_174 = tpu.memref_slice %arg7[%dma_start3A_172, %dma_start3A_173] : memref<128x128xi32, #tpu.memory_space<vmem>> -> memref<8x128xi32, #tpu.memory_space<vmem>>
    %dma_start3A_175 = arith.constant 0 : i32
    %dma_start3A_176 = tpu.memref_slice %arg2[%mul3A_171, %dma_start3A_175] : memref<4096x128xi32, #tpu.memory_space<hbm>> -> memref<8x128xi32, #tpu.memory_space<hbm>>
    %dma_start3A_177 = arith.constant 72 : i32
    %dma_start3A_178 = arith.constant 0 : i32
    %dma_start3A_179 = tpu.memref_slice %arg7[%dma_start3A_177, %dma_start3A_178] : memref<128x128xi32, #tpu.memory_space<vmem>> -> memref<8x128xi32, #tpu.memory_space<vmem>>
    %dma_start3A_180 = arith.constant 0 : i32
    %dma_start3A_181 = tpu.memref_slice %arg2[%mul3A_171, %dma_start3A_180] : memref<4096x128xi32, #tpu.memory_space<hbm>> -> memref<8x128xi32, #tpu.memory_space<hbm>>
    tpu.enqueue_dma source(%dma_start3A_181 : memref<8x128xi32, #tpu.memory_space<hbm>>) target(%dma_start3A_179 : memref<8x128xi32, #tpu.memory_space<vmem>>) target_semaphore(%arg12 : memref<!tpu.dma_semaphore, #tpu.memory_space<semaphore_mem>>)
    %mul3A_182 = arith.constant 4 : i32
    %mul3A_183 = arith.muli %add3A, %mul3A_182 : i32
    %add3A_184 = arith.constant 256 : i32
    %add3A_185 = arith.addi %add3A_184, %mul3A_183 : i32
    %add3A_186 = arith.constant 2 : i32
    %add3A_187 = arith.addi %add3A_185, %add3A_186 : i32
    %mul3A_188 = arith.constant 8 : i32
    %mul3A_189 = arith.muli %add3A_187, %mul3A_188 : i32
    %dma_start3A_190 = arith.constant 80 : i32
    %dma_start3A_191 = arith.constant 0 : i32
    %dma_start3A_192 = tpu.memref_slice %arg7[%dma_start3A_190, %dma_start3A_191] : memref<128x128xi32, #tpu.memory_space<vmem>> -> memref<8x128xi32, #tpu.memory_space<vmem>>
    %dma_start3A_193 = arith.constant 0 : i32
    %dma_start3A_194 = tpu.memref_slice %arg2[%mul3A_189, %dma_start3A_193] : memref<4096x128xi32, #tpu.memory_space<hbm>> -> memref<8x128xi32, #tpu.memory_space<hbm>>
    %dma_start3A_195 = arith.constant 80 : i32
    %dma_start3A_196 = arith.constant 0 : i32
    %dma_start3A_197 = tpu.memref_slice %arg7[%dma_start3A_195, %dma_start3A_196] : memref<128x128xi32, #tpu.memory_space<vmem>> -> memref<8x128xi32, #tpu.memory_space<vmem>>
    %dma_start3A_198 = arith.constant 0 : i32
    %dma_start3A_199 = tpu.memref_slice %arg2[%mul3A_189, %dma_start3A_198] : memref<4096x128xi32, #tpu.memory_space<hbm>> -> memref<8x128xi32, #tpu.memory_space<hbm>>
    tpu.enqueue_dma source(%dma_start3A_199 : memref<8x128xi32, #tpu.memory_space<hbm>>) target(%dma_start3A_197 : memref<8x128xi32, #tpu.memory_space<vmem>>) target_semaphore(%arg12 : memref<!tpu.dma_semaphore, #tpu.memory_space<semaphore_mem>>)
    %mul3A_200 = arith.constant 4 : i32
    %mul3A_201 = arith.muli %add3A, %mul3A_200 : i32
    %add3A_202 = arith.constant 256 : i32
    %add3A_203 = arith.addi %add3A_202, %mul3A_201 : i32
    %add3A_204 = arith.constant 3 : i32
    %add3A_205 = arith.addi %add3A_203, %add3A_204 : i32
    %mul3A_206 = arith.constant 8 : i32
    %mul3A_207 = arith.muli %add3A_205, %mul3A_206 : i32
    %dma_start3A_208 = arith.constant 88 : i32
    %dma_start3A_209 = arith.constant 0 : i32
    %dma_start3A_210 = tpu.memref_slice %arg7[%dma_start3A_208, %dma_start3A_209] : memref<128x128xi32, #tpu.memory_space<vmem>> -> memref<8x128xi32, #tpu.memory_space<vmem>>
    %dma_start3A_211 = arith.constant 0 : i32
    %dma_start3A_212 = tpu.memref_slice %arg2[%mul3A_207, %dma_start3A_211] : memref<4096x128xi32, #tpu.memory_space<hbm>> -> memref<8x128xi32, #tpu.memory_space<hbm>>
    %dma_start3A_213 = arith.constant 88 : i32
    %dma_start3A_214 = arith.constant 0 : i32
    %dma_start3A_215 = tpu.memref_slice %arg7[%dma_start3A_213, %dma_start3A_214] : memref<128x128xi32, #tpu.memory_space<vmem>> -> memref<8x128xi32, #tpu.memory_space<vmem>>
    %dma_start3A_216 = arith.constant 0 : i32
    %dma_start3A_217 = tpu.memref_slice %arg2[%mul3A_207, %dma_start3A_216] : memref<4096x128xi32, #tpu.memory_space<hbm>> -> memref<8x128xi32, #tpu.memory_space<hbm>>
    tpu.enqueue_dma source(%dma_start3A_217 : memref<8x128xi32, #tpu.memory_space<hbm>>) target(%dma_start3A_215 : memref<8x128xi32, #tpu.memory_space<vmem>>) target_semaphore(%arg12 : memref<!tpu.dma_semaphore, #tpu.memory_space<semaphore_mem>>)
    %mul3A_218 = arith.constant 4 : i32
    %mul3A_219 = arith.muli %add3A, %mul3A_218 : i32
    %add3A_220 = arith.constant 384 : i32
    %add3A_221 = arith.addi %add3A_220, %mul3A_219 : i32
    %add3A_222 = arith.constant 0 : i32
    %add3A_223 = arith.addi %add3A_221, %add3A_222 : i32
    %mul3A_224 = arith.constant 8 : i32
    %mul3A_225 = arith.muli %add3A_223, %mul3A_224 : i32
    %dma_start3A_226 = arith.constant 96 : i32
    %dma_start3A_227 = arith.constant 0 : i32
    %dma_start3A_228 = tpu.memref_slice %arg7[%dma_start3A_226, %dma_start3A_227] : memref<128x128xi32, #tpu.memory_space<vmem>> -> memref<8x128xi32, #tpu.memory_space<vmem>>
    %dma_start3A_229 = arith.constant 0 : i32
    %dma_start3A_230 = tpu.memref_slice %arg2[%mul3A_225, %dma_start3A_229] : memref<4096x128xi32, #tpu.memory_space<hbm>> -> memref<8x128xi32, #tpu.memory_space<hbm>>
    %dma_start3A_231 = arith.constant 96 : i32
    %dma_start3A_232 = arith.constant 0 : i32
    %dma_start3A_233 = tpu.memref_slice %arg7[%dma_start3A_231, %dma_start3A_232] : memref<128x128xi32, #tpu.memory_space<vmem>> -> memref<8x128xi32, #tpu.memory_space<vmem>>
    %dma_start3A_234 = arith.constant 0 : i32
    %dma_start3A_235 = tpu.memref_slice %arg2[%mul3A_225, %dma_start3A_234] : memref<4096x128xi32, #tpu.memory_space<hbm>> -> memref<8x128xi32, #tpu.memory_space<hbm>>
    tpu.enqueue_dma source(%dma_start3A_235 : memref<8x128xi32, #tpu.memory_space<hbm>>) target(%dma_start3A_233 : memref<8x128xi32, #tpu.memory_space<vmem>>) target_semaphore(%arg12 : memref<!tpu.dma_semaphore, #tpu.memory_space<semaphore_mem>>)
    %mul3A_236 = arith.constant 4 : i32
    %mul3A_237 = arith.muli %add3A, %mul3A_236 : i32
    %add3A_238 = arith.constant 384 : i32
    %add3A_239 = arith.addi %add3A_238, %mul3A_237 : i32
    %add3A_240 = arith.constant 1 : i32
    %add3A_241 = arith.addi %add3A_239, %add3A_240 : i32
    %mul3A_242 = arith.constant 8 : i32
    %mul3A_243 = arith.muli %add3A_241, %mul3A_242 : i32
    %dma_start3A_244 = arith.constant 104 : i32
    %dma_start3A_245 = arith.constant 0 : i32
    %dma_start3A_246 = tpu.memref_slice %arg7[%dma_start3A_244, %dma_start3A_245] : memref<128x128xi32, #tpu.memory_space<vmem>> -> memref<8x128xi32, #tpu.memory_space<vmem>>
    %dma_start3A_247 = arith.constant 0 : i32
    %dma_start3A_248 = tpu.memref_slice %arg2[%mul3A_243, %dma_start3A_247] : memref<4096x128xi32, #tpu.memory_space<hbm>> -> memref<8x128xi32, #tpu.memory_space<hbm>>
    %dma_start3A_249 = arith.constant 104 : i32
    %dma_start3A_250 = arith.constant 0 : i32
    %dma_start3A_251 = tpu.memref_slice %arg7[%dma_start3A_249, %dma_start3A_250] : memref<128x128xi32, #tpu.memory_space<vmem>> -> memref<8x128xi32, #tpu.memory_space<vmem>>
    %dma_start3A_252 = arith.constant 0 : i32
    %dma_start3A_253 = tpu.memref_slice %arg2[%mul3A_243, %dma_start3A_252] : memref<4096x128xi32, #tpu.memory_space<hbm>> -> memref<8x128xi32, #tpu.memory_space<hbm>>
    tpu.enqueue_dma source(%dma_start3A_253 : memref<8x128xi32, #tpu.memory_space<hbm>>) target(%dma_start3A_251 : memref<8x128xi32, #tpu.memory_space<vmem>>) target_semaphore(%arg12 : memref<!tpu.dma_semaphore, #tpu.memory_space<semaphore_mem>>)
    %mul3A_254 = arith.constant 4 : i32
    %mul3A_255 = arith.muli %add3A, %mul3A_254 : i32
    %add3A_256 = arith.constant 384 : i32
    %add3A_257 = arith.addi %add3A_256, %mul3A_255 : i32
    %add3A_258 = arith.constant 2 : i32
    %add3A_259 = arith.addi %add3A_257, %add3A_258 : i32
    %mul3A_260 = arith.constant 8 : i32
    %mul3A_261 = arith.muli %add3A_259, %mul3A_260 : i32
    %dma_start3A_262 = arith.constant 112 : i32
    %dma_start3A_263 = arith.constant 0 : i32
    %dma_start3A_264 = tpu.memref_slice %arg7[%dma_start3A_262, %dma_start3A_263] : memref<128x128xi32, #tpu.memory_space<vmem>> -> memref<8x128xi32, #tpu.memory_space<vmem>>
    %dma_start3A_265 = arith.constant 0 : i32
    %dma_start3A_266 = tpu.memref_slice %arg2[%mul3A_261, %dma_start3A_265] : memref<4096x128xi32, #tpu.memory_space<hbm>> -> memref<8x128xi32, #tpu.memory_space<hbm>>
    %dma_start3A_267 = arith.constant 112 : i32
    %dma_start3A_268 = arith.constant 0 : i32
    %dma_start3A_269 = tpu.memref_slice %arg7[%dma_start3A_267, %dma_start3A_268] : memref<128x128xi32, #tpu.memory_space<vmem>> -> memref<8x128xi32, #tpu.memory_space<vmem>>
    %dma_start3A_270 = arith.constant 0 : i32
    %dma_start3A_271 = tpu.memref_slice %arg2[%mul3A_261, %dma_start3A_270] : memref<4096x128xi32, #tpu.memory_space<hbm>> -> memref<8x128xi32, #tpu.memory_space<hbm>>
    tpu.enqueue_dma source(%dma_start3A_271 : memref<8x128xi32, #tpu.memory_space<hbm>>) target(%dma_start3A_269 : memref<8x128xi32, #tpu.memory_space<vmem>>) target_semaphore(%arg12 : memref<!tpu.dma_semaphore, #tpu.memory_space<semaphore_mem>>)
    %mul3A_272 = arith.constant 4 : i32
    %mul3A_273 = arith.muli %add3A, %mul3A_272 : i32
    %add3A_274 = arith.constant 384 : i32
    %add3A_275 = arith.addi %add3A_274, %mul3A_273 : i32
    %add3A_276 = arith.constant 3 : i32
    %add3A_277 = arith.addi %add3A_275, %add3A_276 : i32
    %mul3A_278 = arith.constant 8 : i32
    %mul3A_279 = arith.muli %add3A_277, %mul3A_278 : i32
    %dma_start3A_280 = arith.constant 120 : i32
    %dma_start3A_281 = arith.constant 0 : i32
    %dma_start3A_282 = tpu.memref_slice %arg7[%dma_start3A_280, %dma_start3A_281] : memref<128x128xi32, #tpu.memory_space<vmem>> -> memref<8x128xi32, #tpu.memory_space<vmem>>
    %dma_start3A_283 = arith.constant 0 : i32
    %dma_start3A_284 = tpu.memref_slice %arg2[%mul3A_279, %dma_start3A_283] : memref<4096x128xi32, #tpu.memory_space<hbm>> -> memref<8x128xi32, #tpu.memory_space<hbm>>
    %dma_start3A_285 = arith.constant 120 : i32
    %dma_start3A_286 = arith.constant 0 : i32
    %dma_start3A_287 = tpu.memref_slice %arg7[%dma_start3A_285, %dma_start3A_286] : memref<128x128xi32, #tpu.memory_space<vmem>> -> memref<8x128xi32, #tpu.memory_space<vmem>>
    %dma_start3A_288 = arith.constant 0 : i32
    %dma_start3A_289 = tpu.memref_slice %arg2[%mul3A_279, %dma_start3A_288] : memref<4096x128xi32, #tpu.memory_space<hbm>> -> memref<8x128xi32, #tpu.memory_space<hbm>>
    tpu.enqueue_dma source(%dma_start3A_289 : memref<8x128xi32, #tpu.memory_space<hbm>>) target(%dma_start3A_287 : memref<8x128xi32, #tpu.memory_space<vmem>>) target_semaphore(%arg12 : memref<!tpu.dma_semaphore, #tpu.memory_space<semaphore_mem>>)
    "tpu.region"() ({
      %run_scoped3A = tpu.sem_alloc : memref<!tpu.dma_semaphore, #tpu.memory_space<semaphore_mem>>
      tpu.enqueue_dma source(%arg3 : memref<104x128xi32, #tpu.memory_space<hbm>>) target(%arg8 : memref<104x128xi32, #tpu.memory_space<vmem>>) target_semaphore(%run_scoped3A : memref<!tpu.dma_semaphore, #tpu.memory_space<semaphore_mem>>)
      tpu.wait_dma2 semaphore(%run_scoped3A : memref<!tpu.dma_semaphore, #tpu.memory_space<semaphore_mem>>) src(%arg3 : memref<104x128xi32, #tpu.memory_space<hbm>>) dst(%arg8 : memref<104x128xi32, #tpu.memory_space<vmem>>)
      tpu.yield
    }) : () -> ()
    "tpu.region"() ({
      %run_scoped3A = tpu.sem_alloc : memref<!tpu.dma_semaphore, #tpu.memory_space<semaphore_mem>>
      tpu.enqueue_dma source(%arg4 : memref<104x128xi32, #tpu.memory_space<hbm>>) target(%arg9 : memref<104x128xi32, #tpu.memory_space<vmem>>) target_semaphore(%run_scoped3A : memref<!tpu.dma_semaphore, #tpu.memory_space<semaphore_mem>>)
      tpu.wait_dma2 semaphore(%run_scoped3A : memref<!tpu.dma_semaphore, #tpu.memory_space<semaphore_mem>>) src(%arg4 : memref<104x128xi32, #tpu.memory_space<hbm>>) dst(%arg9 : memref<104x128xi32, #tpu.memory_space<vmem>>)
      tpu.yield
    }) : () -> ()
    %dma_wait3A = arith.constant 0 : i32
    %dma_wait3A_290 = arith.constant 0 : i32
    %dma_wait3A_291 = tpu.memref_slice %arg2[%dma_wait3A, %dma_wait3A_290] : memref<4096x128xi32, #tpu.memory_space<hbm>> -> memref<128x128xi32, #tpu.memory_space<hbm>>
    %dma_wait3A_292 = arith.constant 0 : i32
    %dma_wait3A_293 = arith.constant 0 : i32
    %dma_wait3A_294 = tpu.memref_slice %arg2[%dma_wait3A_292, %dma_wait3A_293] : memref<4096x128xi32, #tpu.memory_space<hbm>> -> memref<128x128xi32, #tpu.memory_space<hbm>>
    tpu.wait_dma2 semaphore(%arg12 : memref<!tpu.dma_semaphore, #tpu.memory_space<semaphore_mem>>) src(%dma_wait3A_294 : memref<128x128xi32, #tpu.memory_space<hbm>>) dst(%arg7 : memref<128x128xi32, #tpu.memory_space<vmem>>)
    %scan3A = arith.constant 0 : i32
    %scan3A_295 = arith.constant 0 : i32
    %scan3A_296 = arith.constant 104 : i32
    %scan3A_297 = arith.addi %scan3A_295, %scan3A_296 : i32
    %scan3A_298 = arith.constant 1 : i32
    scf.for %scan3A_306 = %scan3A_295 to %scan3A_297 step %scan3A_298  : i32 {
      %get3A = arith.index_cast %scan3A_306 : i32 to index
      %get3A_307 = arith.constant 0 : index
      %get3A_308 = tpu.vector_load %arg8[%get3A, %get3A_307] {strides = array<i32>} : memref<104x128xi32, #tpu.memory_space<vmem>>, vector<16xi32>,
      %shift_right_arithmetic3A = arith.constant 7 : i32
      %shift_right_arithmetic3A_309 = vector.broadcast %shift_right_arithmetic3A : i32 to vector<16xi32>
      %shift_right_arithmetic3A_310 = arith.shrsi %get3A_308, %shift_right_arithmetic3A_309 : vector<16xi32>
      %and3A = arith.constant 127 : i32
      %and3A_311 = vector.broadcast %and3A : i32 to vector<16xi32>
      %and3A_312 = arith.andi %get3A_308, %and3A_311 : vector<16xi32>
      %gather3A = tpu.vector_load_idx %arg7[%shift_right_arithmetic3A_310, %and3A_312] : memref<128x128xi32, #tpu.memory_space<vmem>>[vector<16xi32>, vector<16xi32>], vector<16xi32>,
      %get3A_313 = arith.index_cast %scan3A_306 : i32 to index
      %get3A_314 = arith.constant 0 : index
      %get3A_315 = tpu.vector_load %arg9[%get3A_313, %get3A_314] {strides = array<i32>} : memref<104x128xi32, #tpu.memory_space<vmem>>, vector<16xi32>,
      %add3A_316 = arith.addi %gather3A, %get3A_315 : vector<16xi32>
      %swap3A = arith.index_cast %scan3A_306 : i32 to index
      %swap3A_317 = arith.constant 0 : index
      %swap3A_318 = tpu.vector_load %arg10[%swap3A, %swap3A_317] {strides = array<i32>} : memref<104x128xi32, #tpu.memory_space<vmem>>, vector<16xi32>,
      tpu.vector_store %arg10[%swap3A, %swap3A_317], %add3A_316 {strides = array<i32>} : memref<104x128xi32, #tpu.memory_space<vmem>>, vector<16xi32>,
      %get3A_319 = arith.index_cast %scan3A_306 : i32 to index
      %get3A_320 = arith.constant 16 : index
      %get3A_321 = tpu.vector_load %arg8[%get3A_319, %get3A_320] {strides = array<i32>} : memref<104x128xi32, #tpu.memory_space<vmem>>, vector<16xi32>,
      %shift_right_arithmetic3A_322 = arith.constant 7 : i32
      %shift_right_arithmetic3A_323 = vector.broadcast %shift_right_arithmetic3A_322 : i32 to vector<16xi32>
      %shift_right_arithmetic3A_324 = arith.shrsi %get3A_321, %shift_right_arithmetic3A_323 : vector<16xi32>
      %and3A_325 = arith.constant 127 : i32
      %and3A_326 = vector.broadcast %and3A_325 : i32 to vector<16xi32>
      %and3A_327 = arith.andi %get3A_321, %and3A_326 : vector<16xi32>
      %gather3A_328 = tpu.vector_load_idx %arg7[%shift_right_arithmetic3A_324, %and3A_327] : memref<128x128xi32, #tpu.memory_space<vmem>>[vector<16xi32>, vector<16xi32>], vector<16xi32>,
      %get3A_329 = arith.index_cast %scan3A_306 : i32 to index
      %get3A_330 = arith.constant 16 : index
      %get3A_331 = tpu.vector_load %arg9[%get3A_329, %get3A_330] {strides = array<i32>} : memref<104x128xi32, #tpu.memory_space<vmem>>, vector<16xi32>,
      %add3A_332 = arith.addi %gather3A_328, %get3A_331 : vector<16xi32>
      %swap3A_333 = arith.index_cast %scan3A_306 : i32 to index
      %swap3A_334 = arith.constant 16 : index
      %swap3A_335 = tpu.vector_load %arg10[%swap3A_333, %swap3A_334] {strides = array<i32>} : memref<104x128xi32, #tpu.memory_space<vmem>>, vector<16xi32>,
      tpu.vector_store %arg10[%swap3A_333, %swap3A_334], %add3A_332 {strides = array<i32>} : memref<104x128xi32, #tpu.memory_space<vmem>>, vector<16xi32>,
      %get3A_336 = arith.index_cast %scan3A_306 : i32 to index
      %get3A_337 = arith.constant 32 : index
      %get3A_338 = tpu.vector_load %arg8[%get3A_336, %get3A_337] {strides = array<i32>} : memref<104x128xi32, #tpu.memory_space<vmem>>, vector<16xi32>,
      %shift_right_arithmetic3A_339 = arith.constant 7 : i32
      %shift_right_arithmetic3A_340 = vector.broadcast %shift_right_arithmetic3A_339 : i32 to vector<16xi32>
      %shift_right_arithmetic3A_341 = arith.shrsi %get3A_338, %shift_right_arithmetic3A_340 : vector<16xi32>
      %and3A_342 = arith.constant 127 : i32
      %and3A_343 = vector.broadcast %and3A_342 : i32 to vector<16xi32>
      %and3A_344 = arith.andi %get3A_338, %and3A_343 : vector<16xi32>
      %gather3A_345 = tpu.vector_load_idx %arg7[%shift_right_arithmetic3A_341, %and3A_344] : memref<128x128xi32, #tpu.memory_space<vmem>>[vector<16xi32>, vector<16xi32>], vector<16xi32>,
      %get3A_346 = arith.index_cast %scan3A_306 : i32 to index
      %get3A_347 = arith.constant 32 : index
      %get3A_348 = tpu.vector_load %arg9[%get3A_346, %get3A_347] {strides = array<i32>} : memref<104x128xi32, #tpu.memory_space<vmem>>, vector<16xi32>,
      %add3A_349 = arith.addi %gather3A_345, %get3A_348 : vector<16xi32>
      %swap3A_350 = arith.index_cast %scan3A_306 : i32 to index
      %swap3A_351 = arith.constant 32 : index
      %swap3A_352 = tpu.vector_load %arg10[%swap3A_350, %swap3A_351] {strides = array<i32>} : memref<104x128xi32, #tpu.memory_space<vmem>>, vector<16xi32>,
      tpu.vector_store %arg10[%swap3A_350, %swap3A_351], %add3A_349 {strides = array<i32>} : memref<104x128xi32, #tpu.memory_space<vmem>>, vector<16xi32>,
      %get3A_353 = arith.index_cast %scan3A_306 : i32 to index
      %get3A_354 = arith.constant 48 : index
      %get3A_355 = tpu.vector_load %arg8[%get3A_353, %get3A_354] {strides = array<i32>} : memref<104x128xi32, #tpu.memory_space<vmem>>, vector<16xi32>,
      %shift_right_arithmetic3A_356 = arith.constant 7 : i32
      %shift_right_arithmetic3A_357 = vector.broadcast %shift_right_arithmetic3A_356 : i32 to vector<16xi32>
      %shift_right_arithmetic3A_358 = arith.shrsi %get3A_355, %shift_right_arithmetic3A_357 : vector<16xi32>
      %and3A_359 = arith.constant 127 : i32
      %and3A_360 = vector.broadcast %and3A_359 : i32 to vector<16xi32>
      %and3A_361 = arith.andi %get3A_355, %and3A_360 : vector<16xi32>
      %gather3A_362 = tpu.vector_load_idx %arg7[%shift_right_arithmetic3A_358, %and3A_361] : memref<128x128xi32, #tpu.memory_space<vmem>>[vector<16xi32>, vector<16xi32>], vector<16xi32>,
      %get3A_363 = arith.index_cast %scan3A_306 : i32 to index
      %get3A_364 = arith.constant 48 : index
      %get3A_365 = tpu.vector_load %arg9[%get3A_363, %get3A_364] {strides = array<i32>} : memref<104x128xi32, #tpu.memory_space<vmem>>, vector<16xi32>,
      %add3A_366 = arith.addi %gather3A_362, %get3A_365 : vector<16xi32>
      %swap3A_367 = arith.index_cast %scan3A_306 : i32 to index
      %swap3A_368 = arith.constant 48 : index
      %swap3A_369 = tpu.vector_load %arg10[%swap3A_367, %swap3A_368] {strides = array<i32>} : memref<104x128xi32, #tpu.memory_space<vmem>>, vector<16xi32>,
      tpu.vector_store %arg10[%swap3A_367, %swap3A_368], %add3A_366 {strides = array<i32>} : memref<104x128xi32, #tpu.memory_space<vmem>>, vector<16xi32>,
      %get3A_370 = arith.index_cast %scan3A_306 : i32 to index
      %get3A_371 = arith.constant 64 : index
      %get3A_372 = tpu.vector_load %arg8[%get3A_370, %get3A_371] {strides = array<i32>} : memref<104x128xi32, #tpu.memory_space<vmem>>, vector<16xi32>,
      %shift_right_arithmetic3A_373 = arith.constant 7 : i32
      %shift_right_arithmetic3A_374 = vector.broadcast %shift_right_arithmetic3A_373 : i32 to vector<16xi32>
      %shift_right_arithmetic3A_375 = arith.shrsi %get3A_372, %shift_right_arithmetic3A_374 : vector<16xi32>
      %and3A_376 = arith.constant 127 : i32
      %and3A_377 = vector.broadcast %and3A_376 : i32 to vector<16xi32>
      %and3A_378 = arith.andi %get3A_372, %and3A_377 : vector<16xi32>
      %gather3A_379 = tpu.vector_load_idx %arg7[%shift_right_arithmetic3A_375, %and3A_378] : memref<128x128xi32, #tpu.memory_space<vmem>>[vector<16xi32>, vector<16xi32>], vector<16xi32>,
      %get3A_380 = arith.index_cast %scan3A_306 : i32 to index
      %get3A_381 = arith.constant 64 : index
      %get3A_382 = tpu.vector_load %arg9[%get3A_380, %get3A_381] {strides = array<i32>} : memref<104x128xi32, #tpu.memory_space<vmem>>, vector<16xi32>,
      %add3A_383 = arith.addi %gather3A_379, %get3A_382 : vector<16xi32>
      %swap3A_384 = arith.index_cast %scan3A_306 : i32 to index
      %swap3A_385 = arith.constant 64 : index
      %swap3A_386 = tpu.vector_load %arg10[%swap3A_384, %swap3A_385] {strides = array<i32>} : memref<104x128xi32, #tpu.memory_space<vmem>>, vector<16xi32>,
      tpu.vector_store %arg10[%swap3A_384, %swap3A_385], %add3A_383 {strides = array<i32>} : memref<104x128xi32, #tpu.memory_space<vmem>>, vector<16xi32>,
      %get3A_387 = arith.index_cast %scan3A_306 : i32 to index
      %get3A_388 = arith.constant 80 : index
      %get3A_389 = tpu.vector_load %arg8[%get3A_387, %get3A_388] {strides = array<i32>} : memref<104x128xi32, #tpu.memory_space<vmem>>, vector<16xi32>,
      %shift_right_arithmetic3A_390 = arith.constant 7 : i32
      %shift_right_arithmetic3A_391 = vector.broadcast %shift_right_arithmetic3A_390 : i32 to vector<16xi32>
      %shift_right_arithmetic3A_392 = arith.shrsi %get3A_389, %shift_right_arithmetic3A_391 : vector<16xi32>
      %and3A_393 = arith.constant 127 : i32
      %and3A_394 = vector.broadcast %and3A_393 : i32 to vector<16xi32>
      %and3A_395 = arith.andi %get3A_389, %and3A_394 : vector<16xi32>
      %gather3A_396 = tpu.vector_load_idx %arg7[%shift_right_arithmetic3A_392, %and3A_395] : memref<128x128xi32, #tpu.memory_space<vmem>>[vector<16xi32>, vector<16xi32>], vector<16xi32>,
      %get3A_397 = arith.index_cast %scan3A_306 : i32 to index
      %get3A_398 = arith.constant 80 : index
      %get3A_399 = tpu.vector_load %arg9[%get3A_397, %get3A_398] {strides = array<i32>} : memref<104x128xi32, #tpu.memory_space<vmem>>, vector<16xi32>,
      %add3A_400 = arith.addi %gather3A_396, %get3A_399 : vector<16xi32>
      %swap3A_401 = arith.index_cast %scan3A_306 : i32 to index
      %swap3A_402 = arith.constant 80 : index
      %swap3A_403 = tpu.vector_load %arg10[%swap3A_401, %swap3A_402] {strides = array<i32>} : memref<104x128xi32, #tpu.memory_space<vmem>>, vector<16xi32>,
      tpu.vector_store %arg10[%swap3A_401, %swap3A_402], %add3A_400 {strides = array<i32>} : memref<104x128xi32, #tpu.memory_space<vmem>>, vector<16xi32>,
      %get3A_404 = arith.index_cast %scan3A_306 : i32 to index
      %get3A_405 = arith.constant 96 : index
      %get3A_406 = tpu.vector_load %arg8[%get3A_404, %get3A_405] {strides = array<i32>} : memref<104x128xi32, #tpu.memory_space<vmem>>, vector<16xi32>,
      %shift_right_arithmetic3A_407 = arith.constant 7 : i32
      %shift_right_arithmetic3A_408 = vector.broadcast %shift_right_arithmetic3A_407 : i32 to vector<16xi32>
      %shift_right_arithmetic3A_409 = arith.shrsi %get3A_406, %shift_right_arithmetic3A_408 : vector<16xi32>
      %and3A_410 = arith.constant 127 : i32
      %and3A_411 = vector.broadcast %and3A_410 : i32 to vector<16xi32>
      %and3A_412 = arith.andi %get3A_406, %and3A_411 : vector<16xi32>
      %gather3A_413 = tpu.vector_load_idx %arg7[%shift_right_arithmetic3A_409, %and3A_412] : memref<128x128xi32, #tpu.memory_space<vmem>>[vector<16xi32>, vector<16xi32>], vector<16xi32>,
      %get3A_414 = arith.index_cast %scan3A_306 : i32 to index
      %get3A_415 = arith.constant 96 : index
      %get3A_416 = tpu.vector_load %arg9[%get3A_414, %get3A_415] {strides = array<i32>} : memref<104x128xi32, #tpu.memory_space<vmem>>, vector<16xi32>,
      %add3A_417 = arith.addi %gather3A_413, %get3A_416 : vector<16xi32>
      %swap3A_418 = arith.index_cast %scan3A_306 : i32 to index
      %swap3A_419 = arith.constant 96 : index
      %swap3A_420 = tpu.vector_load %arg10[%swap3A_418, %swap3A_419] {strides = array<i32>} : memref<104x128xi32, #tpu.memory_space<vmem>>, vector<16xi32>,
      tpu.vector_store %arg10[%swap3A_418, %swap3A_419], %add3A_417 {strides = array<i32>} : memref<104x128xi32, #tpu.memory_space<vmem>>, vector<16xi32>,
      %get3A_421 = arith.index_cast %scan3A_306 : i32 to index
      %get3A_422 = arith.constant 112 : index
      %get3A_423 = tpu.vector_load %arg8[%get3A_421, %get3A_422] {strides = array<i32>} : memref<104x128xi32, #tpu.memory_space<vmem>>, vector<16xi32>,
      %shift_right_arithmetic3A_424 = arith.constant 7 : i32
      %shift_right_arithmetic3A_425 = vector.broadcast %shift_right_arithmetic3A_424 : i32 to vector<16xi32>
      %shift_right_arithmetic3A_426 = arith.shrsi %get3A_423, %shift_right_arithmetic3A_425 : vector<16xi32>
      %and3A_427 = arith.constant 127 : i32
      %and3A_428 = vector.broadcast %and3A_427 : i32 to vector<16xi32>
      %and3A_429 = arith.andi %get3A_423, %and3A_428 : vector<16xi32>
      %gather3A_430 = tpu.vector_load_idx %arg7[%shift_right_arithmetic3A_426, %and3A_429] : memref<128x128xi32, #tpu.memory_space<vmem>>[vector<16xi32>, vector<16xi32>], vector<16xi32>,
      %get3A_431 = arith.index_cast %scan3A_306 : i32 to index
      %get3A_432 = arith.constant 112 : index
      %get3A_433 = tpu.vector_load %arg9[%get3A_431, %get3A_432] {strides = array<i32>} : memref<104x128xi32, #tpu.memory_space<vmem>>, vector<16xi32>,
      %add3A_434 = arith.addi %gather3A_430, %get3A_433 : vector<16xi32>
      %swap3A_435 = arith.index_cast %scan3A_306 : i32 to index
      %swap3A_436 = arith.constant 112 : index
      %swap3A_437 = tpu.vector_load %arg10[%swap3A_435, %swap3A_436] {strides = array<i32>} : memref<104x128xi32, #tpu.memory_space<vmem>>, vector<16xi32>,
      tpu.vector_store %arg10[%swap3A_435, %swap3A_436], %add3A_434 {strides = array<i32>} : memref<104x128xi32, #tpu.memory_space<vmem>>, vector<16xi32>,
    }
    %scan3A_299 = arith.constant 104 : i32
    %scan3A_300 = arith.constant 0 : i32
    %scan3A_301 = arith.constant 0 : i32
    %scan3A_302 = arith.constant 13 : i32
    %scan3A_303 = arith.addi %scan3A_301, %scan3A_302 : i32
    %scan3A_304 = arith.constant 1 : i32
    scf.for %scan3A_306 = %scan3A_301 to %scan3A_303 step %scan3A_304  : i32 {
      %mul3A_307 = arith.constant 8 : i32
      %mul3A_308 = arith.muli %scan3A_306, %mul3A_307 : i32
      %add3A_309 = arith.constant 0 : i32
      %add3A_310 = arith.addi %mul3A_308, %add3A_309 : i32
      %dma_start3A_311 = arith.constant 0 : i32
      %dma_start3A_312 = arith.constant 0 : i32
      %dma_start3A_313 = tpu.memref_slice %arg11[%dma_start3A_311, %dma_start3A_312] : memref<1024x32xf32, #tpu.memory_space<vmem>> -> memref<128x32xf32, #tpu.memory_space<vmem>>
      %dma_start3A_314 = arith.constant 0 : i32
      %dma_start3A_315 = tpu.memref_slice %arg10[%add3A_310, %dma_start3A_314] : memref<104x128xi32, #tpu.memory_space<vmem>> -> memref<1x128xi32, #tpu.memory_space<vmem>>
      %dma_start3A_316 = tpu.memref_squeeze %dma_start3A_315 : memref<1x128xi32, #tpu.memory_space<vmem>> -> memref<128xi32, #tpu.memory_space<vmem>>
      %dma_start3A_317 = arith.constant 0 : i32
      %dma_start3A_318 = arith.constant 0 : i32
      %dma_start3A_319 = tpu.memref_slice %arg5[%dma_start3A_317, %dma_start3A_318] : memref<2600000x32xf32, #tpu.memory_space<hbm>> -> memref<2600000x32xf32, #tpu.memory_space<hbm>>
      tpu.enqueue_indirect_dma source(%dma_start3A_319 : memref<2600000x32xf32, #tpu.memory_space<hbm>>) target(%dma_start3A_313 : memref<128x32xf32, #tpu.memory_space<vmem>>) offsets(%dma_start3A_316 : memref<128xi32, #tpu.memory_space<vmem>>) semaphore(%arg13 : memref<!tpu.dma_semaphore, #tpu.memory_space<semaphore_mem>>)
      %mul3A_320 = arith.constant 8 : i32
      %mul3A_321 = arith.muli %scan3A_306, %mul3A_320 : i32
      %add3A_322 = arith.constant 1 : i32
      %add3A_323 = arith.addi %mul3A_321, %add3A_322 : i32
      %dma_start3A_324 = arith.constant 128 : i32
      %dma_start3A_325 = arith.constant 0 : i32
      %dma_start3A_326 = tpu.memref_slice %arg11[%dma_start3A_324, %dma_start3A_325] : memref<1024x32xf32, #tpu.memory_space<vmem>> -> memref<128x32xf32, #tpu.memory_space<vmem>>
      %dma_start3A_327 = arith.constant 0 : i32
      %dma_start3A_328 = tpu.memref_slice %arg10[%add3A_323, %dma_start3A_327] : memref<104x128xi32, #tpu.memory_space<vmem>> -> memref<1x128xi32, #tpu.memory_space<vmem>>
      %dma_start3A_329 = tpu.memref_squeeze %dma_start3A_328 : memref<1x128xi32, #tpu.memory_space<vmem>> -> memref<128xi32, #tpu.memory_space<vmem>>
      %dma_start3A_330 = arith.constant 0 : i32
      %dma_start3A_331 = arith.constant 0 : i32
      %dma_start3A_332 = tpu.memref_slice %arg5[%dma_start3A_330, %dma_start3A_331] : memref<2600000x32xf32, #tpu.memory_space<hbm>> -> memref<2600000x32xf32, #tpu.memory_space<hbm>>
      tpu.enqueue_indirect_dma source(%dma_start3A_332 : memref<2600000x32xf32, #tpu.memory_space<hbm>>) target(%dma_start3A_326 : memref<128x32xf32, #tpu.memory_space<vmem>>) offsets(%dma_start3A_329 : memref<128xi32, #tpu.memory_space<vmem>>) semaphore(%arg13 : memref<!tpu.dma_semaphore, #tpu.memory_space<semaphore_mem>>)
      %mul3A_333 = arith.constant 8 : i32
      %mul3A_334 = arith.muli %scan3A_306, %mul3A_333 : i32
      %add3A_335 = arith.constant 2 : i32
      %add3A_336 = arith.addi %mul3A_334, %add3A_335 : i32
      %dma_start3A_337 = arith.constant 256 : i32
      %dma_start3A_338 = arith.constant 0 : i32
      %dma_start3A_339 = tpu.memref_slice %arg11[%dma_start3A_337, %dma_start3A_338] : memref<1024x32xf32, #tpu.memory_space<vmem>> -> memref<128x32xf32, #tpu.memory_space<vmem>>
      %dma_start3A_340 = arith.constant 0 : i32
      %dma_start3A_341 = tpu.memref_slice %arg10[%add3A_336, %dma_start3A_340] : memref<104x128xi32, #tpu.memory_space<vmem>> -> memref<1x128xi32, #tpu.memory_space<vmem>>
      %dma_start3A_342 = tpu.memref_squeeze %dma_start3A_341 : memref<1x128xi32, #tpu.memory_space<vmem>> -> memref<128xi32, #tpu.memory_space<vmem>>
      %dma_start3A_343 = arith.constant 0 : i32
      %dma_start3A_344 = arith.constant 0 : i32
      %dma_start3A_345 = tpu.memref_slice %arg5[%dma_start3A_343, %dma_start3A_344] : memref<2600000x32xf32, #tpu.memory_space<hbm>> -> memref<2600000x32xf32, #tpu.memory_space<hbm>>
      tpu.enqueue_indirect_dma source(%dma_start3A_345 : memref<2600000x32xf32, #tpu.memory_space<hbm>>) target(%dma_start3A_339 : memref<128x32xf32, #tpu.memory_space<vmem>>) offsets(%dma_start3A_342 : memref<128xi32, #tpu.memory_space<vmem>>) semaphore(%arg13 : memref<!tpu.dma_semaphore, #tpu.memory_space<semaphore_mem>>)
      %mul3A_346 = arith.constant 8 : i32
      %mul3A_347 = arith.muli %scan3A_306, %mul3A_346 : i32
      %add3A_348 = arith.constant 3 : i32
      %add3A_349 = arith.addi %mul3A_347, %add3A_348 : i32
      %dma_start3A_350 = arith.constant 384 : i32
      %dma_start3A_351 = arith.constant 0 : i32
      %dma_start3A_352 = tpu.memref_slice %arg11[%dma_start3A_350, %dma_start3A_351] : memref<1024x32xf32, #tpu.memory_space<vmem>> -> memref<128x32xf32, #tpu.memory_space<vmem>>
      %dma_start3A_353 = arith.constant 0 : i32
      %dma_start3A_354 = tpu.memref_slice %arg10[%add3A_349, %dma_start3A_353] : memref<104x128xi32, #tpu.memory_space<vmem>> -> memref<1x128xi32, #tpu.memory_space<vmem>>
      %dma_start3A_355 = tpu.memref_squeeze %dma_start3A_354 : memref<1x128xi32, #tpu.memory_space<vmem>> -> memref<128xi32, #tpu.memory_space<vmem>>
      %dma_start3A_356 = arith.constant 0 : i32
      %dma_start3A_357 = arith.constant 0 : i32
      %dma_start3A_358 = tpu.memref_slice %arg5[%dma_start3A_356, %dma_start3A_357] : memref<2600000x32xf32, #tpu.memory_space<hbm>> -> memref<2600000x32xf32, #tpu.memory_space<hbm>>
      tpu.enqueue_indirect_dma source(%dma_start3A_358 : memref<2600000x32xf32, #tpu.memory_space<hbm>>) target(%dma_start3A_352 : memref<128x32xf32, #tpu.memory_space<vmem>>) offsets(%dma_start3A_355 : memref<128xi32, #tpu.memory_space<vmem>>) semaphore(%arg13 : memref<!tpu.dma_semaphore, #tpu.memory_space<semaphore_mem>>)
      %mul3A_359 = arith.constant 8 : i32
      %mul3A_360 = arith.muli %scan3A_306, %mul3A_359 : i32
      %add3A_361 = arith.constant 4 : i32
      %add3A_362 = arith.addi %mul3A_360, %add3A_361 : i32
      %dma_start3A_363 = arith.constant 512 : i32
      %dma_start3A_364 = arith.constant 0 : i32
      %dma_start3A_365 = tpu.memref_slice %arg11[%dma_start3A_363, %dma_start3A_364] : memref<1024x32xf32, #tpu.memory_space<vmem>> -> memref<128x32xf32, #tpu.memory_space<vmem>>
      %dma_start3A_366 = arith.constant 0 : i32
      %dma_start3A_367 = tpu.memref_slice %arg10[%add3A_362, %dma_start3A_366] : memref<104x128xi32, #tpu.memory_space<vmem>> -> memref<1x128xi32, #tpu.memory_space<vmem>>
      %dma_start3A_368 = tpu.memref_squeeze %dma_start3A_367 : memref<1x128xi32, #tpu.memory_space<vmem>> -> memref<128xi32, #tpu.memory_space<vmem>>
      %dma_start3A_369 = arith.constant 0 : i32
      %dma_start3A_370 = arith.constant 0 : i32
      %dma_start3A_371 = tpu.memref_slice %arg5[%dma_start3A_369, %dma_start3A_370] : memref<2600000x32xf32, #tpu.memory_space<hbm>> -> memref<2600000x32xf32, #tpu.memory_space<hbm>>
      tpu.enqueue_indirect_dma source(%dma_start3A_371 : memref<2600000x32xf32, #tpu.memory_space<hbm>>) target(%dma_start3A_365 : memref<128x32xf32, #tpu.memory_space<vmem>>) offsets(%dma_start3A_368 : memref<128xi32, #tpu.memory_space<vmem>>) semaphore(%arg13 : memref<!tpu.dma_semaphore, #tpu.memory_space<semaphore_mem>>)
      %mul3A_372 = arith.constant 8 : i32
      %mul3A_373 = arith.muli %scan3A_306, %mul3A_372 : i32
      %add3A_374 = arith.constant 5 : i32
      %add3A_375 = arith.addi %mul3A_373, %add3A_374 : i32
      %dma_start3A_376 = arith.constant 640 : i32
      %dma_start3A_377 = arith.constant 0 : i32
      %dma_start3A_378 = tpu.memref_slice %arg11[%dma_start3A_376, %dma_start3A_377] : memref<1024x32xf32, #tpu.memory_space<vmem>> -> memref<128x32xf32, #tpu.memory_space<vmem>>
      %dma_start3A_379 = arith.constant 0 : i32
      %dma_start3A_380 = tpu.memref_slice %arg10[%add3A_375, %dma_start3A_379] : memref<104x128xi32, #tpu.memory_space<vmem>> -> memref<1x128xi32, #tpu.memory_space<vmem>>
      %dma_start3A_381 = tpu.memref_squeeze %dma_start3A_380 : memref<1x128xi32, #tpu.memory_space<vmem>> -> memref<128xi32, #tpu.memory_space<vmem>>
      %dma_start3A_382 = arith.constant 0 : i32
      %dma_start3A_383 = arith.constant 0 : i32
      %dma_start3A_384 = tpu.memref_slice %arg5[%dma_start3A_382, %dma_start3A_383] : memref<2600000x32xf32, #tpu.memory_space<hbm>> -> memref<2600000x32xf32, #tpu.memory_space<hbm>>
      tpu.enqueue_indirect_dma source(%dma_start3A_384 : memref<2600000x32xf32, #tpu.memory_space<hbm>>) target(%dma_start3A_378 : memref<128x32xf32, #tpu.memory_space<vmem>>) offsets(%dma_start3A_381 : memref<128xi32, #tpu.memory_space<vmem>>) semaphore(%arg13 : memref<!tpu.dma_semaphore, #tpu.memory_space<semaphore_mem>>)
      %mul3A_385 = arith.constant 8 : i32
      %mul3A_386 = arith.muli %scan3A_306, %mul3A_385 : i32
      %add3A_387 = arith.constant 6 : i32
      %add3A_388 = arith.addi %mul3A_386, %add3A_387 : i32
      %dma_start3A_389 = arith.constant 768 : i32
      %dma_start3A_390 = arith.constant 0 : i32
      %dma_start3A_391 = tpu.memref_slice %arg11[%dma_start3A_389, %dma_start3A_390] : memref<1024x32xf32, #tpu.memory_space<vmem>> -> memref<128x32xf32, #tpu.memory_space<vmem>>
      %dma_start3A_392 = arith.constant 0 : i32
      %dma_start3A_393 = tpu.memref_slice %arg10[%add3A_388, %dma_start3A_392] : memref<104x128xi32, #tpu.memory_space<vmem>> -> memref<1x128xi32, #tpu.memory_space<vmem>>
      %dma_start3A_394 = tpu.memref_squeeze %dma_start3A_393 : memref<1x128xi32, #tpu.memory_space<vmem>> -> memref<128xi32, #tpu.memory_space<vmem>>
      %dma_start3A_395 = arith.constant 0 : i32
      %dma_start3A_396 = arith.constant 0 : i32
      %dma_start3A_397 = tpu.memref_slice %arg5[%dma_start3A_395, %dma_start3A_396] : memref<2600000x32xf32, #tpu.memory_space<hbm>> -> memref<2600000x32xf32, #tpu.memory_space<hbm>>
      tpu.enqueue_indirect_dma source(%dma_start3A_397 : memref<2600000x32xf32, #tpu.memory_space<hbm>>) target(%dma_start3A_391 : memref<128x32xf32, #tpu.memory_space<vmem>>) offsets(%dma_start3A_394 : memref<128xi32, #tpu.memory_space<vmem>>) semaphore(%arg13 : memref<!tpu.dma_semaphore, #tpu.memory_space<semaphore_mem>>)
      %mul3A_398 = arith.constant 8 : i32
      %mul3A_399 = arith.muli %scan3A_306, %mul3A_398 : i32
      %add3A_400 = arith.constant 7 : i32
      %add3A_401 = arith.addi %mul3A_399, %add3A_400 : i32
      %dma_start3A_402 = arith.constant 896 : i32
      %dma_start3A_403 = arith.constant 0 : i32
      %dma_start3A_404 = tpu.memref_slice %arg11[%dma_start3A_402, %dma_start3A_403] : memref<1024x32xf32, #tpu.memory_space<vmem>> -> memref<128x32xf32, #tpu.memory_space<vmem>>
      %dma_start3A_405 = arith.constant 0 : i32
      %dma_start3A_406 = tpu.memref_slice %arg10[%add3A_401, %dma_start3A_405] : memref<104x128xi32, #tpu.memory_space<vmem>> -> memref<1x128xi32, #tpu.memory_space<vmem>>
      %dma_start3A_407 = tpu.memref_squeeze %dma_start3A_406 : memref<1x128xi32, #tpu.memory_space<vmem>> -> memref<128xi32, #tpu.memory_space<vmem>>
      %dma_start3A_408 = arith.constant 0 : i32
      %dma_start3A_409 = arith.constant 0 : i32
      %dma_start3A_410 = tpu.memref_slice %arg5[%dma_start3A_408, %dma_start3A_409] : memref<2600000x32xf32, #tpu.memory_space<hbm>> -> memref<2600000x32xf32, #tpu.memory_space<hbm>>
      tpu.enqueue_indirect_dma source(%dma_start3A_410 : memref<2600000x32xf32, #tpu.memory_space<hbm>>) target(%dma_start3A_404 : memref<128x32xf32, #tpu.memory_space<vmem>>) offsets(%dma_start3A_407 : memref<128xi32, #tpu.memory_space<vmem>>) semaphore(%arg13 : memref<!tpu.dma_semaphore, #tpu.memory_space<semaphore_mem>>)
      %dma_wait3A_411 = arith.constant 0 : i32
      %dma_wait3A_412 = arith.constant 0 : i32
      %dma_wait3A_413 = tpu.memref_slice %arg5[%dma_wait3A_411, %dma_wait3A_412] : memref<2600000x32xf32, #tpu.memory_space<hbm>> -> memref<1024x32xf32, #tpu.memory_space<hbm>>
      %dma_wait3A_414 = arith.constant 0 : i32
      %dma_wait3A_415 = arith.constant 0 : i32
      %dma_wait3A_416 = tpu.memref_slice %arg5[%dma_wait3A_414, %dma_wait3A_415] : memref<2600000x32xf32, #tpu.memory_space<hbm>> -> memref<1024x32xf32, #tpu.memory_space<hbm>>
      tpu.wait_dma2 semaphore(%arg13 : memref<!tpu.dma_semaphore, #tpu.memory_space<semaphore_mem>>) src(%dma_wait3A_416 : memref<1024x32xf32, #tpu.memory_space<hbm>>) dst(%arg11 : memref<1024x32xf32, #tpu.memory_space<vmem>>)
      %mul3A_417 = arith.constant 1024 : i32
      %mul3A_418 = arith.muli %scan3A_306, %mul3A_417 : i32
      %add3A_419 = arith.addi %mul3A_2, %mul3A_418 : i32
      "tpu.region"() ({
        %run_scoped3A = tpu.sem_alloc : memref<!tpu.dma_semaphore, #tpu.memory_space<semaphore_mem>>
        %dma_start3A_420 = arith.constant 0 : i32
        %dma_start3A_421 = tpu.memref_slice %arg6[%add3A_419, %dma_start3A_420] : memref<425984x32xf32, #tpu.memory_space<hbm>> -> memref<1024x32xf32, #tpu.memory_space<hbm>>
        %dma_start3A_422 = arith.constant 0 : i32
        %dma_start3A_423 = tpu.memref_slice %arg6[%add3A_419, %dma_start3A_422] : memref<425984x32xf32, #tpu.memory_space<hbm>> -> memref<1024x32xf32, #tpu.memory_space<hbm>>
        tpu.enqueue_dma source(%arg11 : memref<1024x32xf32, #tpu.memory_space<vmem>>) target(%dma_start3A_423 : memref<1024x32xf32, #tpu.memory_space<hbm>>) target_semaphore(%run_scoped3A : memref<!tpu.dma_semaphore, #tpu.memory_space<semaphore_mem>>)
        %dma_wait3A_424 = arith.constant 0 : i32
        %dma_wait3A_425 = tpu.memref_slice %arg6[%add3A_419, %dma_wait3A_424] : memref<425984x32xf32, #tpu.memory_space<hbm>> -> memref<1024x32xf32, #tpu.memory_space<hbm>>
        %dma_wait3A_426 = arith.constant 0 : i32
        %dma_wait3A_427 = tpu.memref_slice %arg6[%add3A_419, %dma_wait3A_426] : memref<425984x32xf32, #tpu.memory_space<hbm>> -> memref<1024x32xf32, #tpu.memory_space<hbm>>
        tpu.wait_dma2 semaphore(%run_scoped3A : memref<!tpu.dma_semaphore, #tpu.memory_space<semaphore_mem>>) src(%arg11 : memref<1024x32xf32, #tpu.memory_space<vmem>>) dst(%dma_wait3A_427 : memref<1024x32xf32, #tpu.memory_space<hbm>>)
        tpu.yield
      }) : () -> ()
    }
    %scan3A_305 = arith.constant 13 : i32
    return
  }
}

module attributes {stable_mosaic.version = 14 : i64} {
  func.func @_tc_transpose_body(%arg0: i32, %arg1: memref<32x8192xf32, #tpu.memory_space<vmem>>, %arg2: memref<2048x128xf32, #tpu.memory_space<vmem>>) attributes {dimension_semantics = [#tpu.dimension_semantics<arbitrary>], iteration_bounds = array<i64: 318>, scalar_prefetch = 0 : i64, scratch_operands = 0 : i64, tpu.core_type = #tpu.core_type<tc>, window_params = [{transform_indices = @transform_0, window_bounds = array<i64: 32, 8192>}, {transform_indices = @transform_1, window_bounds = array<i64: 2048, 128>}]} {
    %get3A = arith.constant 0 : index
    %get3A_0 = arith.constant 0 : index
    %get3A_1 = vector.load %arg1[%get3A, %get3A_0] : memref<32x8192xf32, #tpu.memory_space<vmem>>, vector<32x8192xf32>
    %transpose3A = tpu.transpose %get3A_1, [1, 0] : vector<32x8192xf32> -> vector<8192x32xf32>
    %reshape3A = vector.shape_cast %transpose3A : vector<8192x32xf32> to vector<2048x4x32xf32>
    %slice3A = vector.extract_strided_slice %reshape3A {offsets = [0, 0, 0], sizes = [2048, 1, 32], strides = [1, 1, 1]} : vector<2048x4x32xf32> to vector<2048x1x32xf32>
    %squeeze3A = vector.shape_cast %slice3A : vector<2048x1x32xf32> to vector<2048x32xf32>
    %swap3A = arith.constant 0 : index
    %swap3A_2 = arith.constant 0 : index
    %swap3A_3 = vector.load %arg2[%swap3A, %swap3A_2] : memref<2048x128xf32, #tpu.memory_space<vmem>>, vector<2048x32xf32>
    tpu.vector_store %arg2[%swap3A, %swap3A_2], %squeeze3A {strides = array<i32>} : memref<2048x128xf32, #tpu.memory_space<vmem>>, vector<2048x32xf32>,
    %slice3A_4 = vector.extract_strided_slice %reshape3A {offsets = [0, 1, 0], sizes = [2048, 1, 32], strides = [1, 1, 1]} : vector<2048x4x32xf32> to vector<2048x1x32xf32>
    %squeeze3A_5 = vector.shape_cast %slice3A_4 : vector<2048x1x32xf32> to vector<2048x32xf32>
    %swap3A_6 = arith.constant 0 : index
    %swap3A_7 = arith.constant 32 : index
    %swap3A_8 = vector.load %arg2[%swap3A_6, %swap3A_7] : memref<2048x128xf32, #tpu.memory_space<vmem>>, vector<2048x32xf32>
    tpu.vector_store %arg2[%swap3A_6, %swap3A_7], %squeeze3A_5 {strides = array<i32>} : memref<2048x128xf32, #tpu.memory_space<vmem>>, vector<2048x32xf32>,
    %slice3A_9 = vector.extract_strided_slice %reshape3A {offsets = [0, 2, 0], sizes = [2048, 1, 32], strides = [1, 1, 1]} : vector<2048x4x32xf32> to vector<2048x1x32xf32>
    %squeeze3A_10 = vector.shape_cast %slice3A_9 : vector<2048x1x32xf32> to vector<2048x32xf32>
    %swap3A_11 = arith.constant 0 : index
    %swap3A_12 = arith.constant 64 : index
    %swap3A_13 = vector.load %arg2[%swap3A_11, %swap3A_12] : memref<2048x128xf32, #tpu.memory_space<vmem>>, vector<2048x32xf32>
    tpu.vector_store %arg2[%swap3A_11, %swap3A_12], %squeeze3A_10 {strides = array<i32>} : memref<2048x128xf32, #tpu.memory_space<vmem>>, vector<2048x32xf32>,
    %slice3A_14 = vector.extract_strided_slice %reshape3A {offsets = [0, 3, 0], sizes = [2048, 1, 32], strides = [1, 1, 1]} : vector<2048x4x32xf32> to vector<2048x1x32xf32>
    %squeeze3A_15 = vector.shape_cast %slice3A_14 : vector<2048x1x32xf32> to vector<2048x32xf32>
    %swap3A_16 = arith.constant 0 : index
    %swap3A_17 = arith.constant 96 : index
    %swap3A_18 = vector.load %arg2[%swap3A_16, %swap3A_17] : memref<2048x128xf32, #tpu.memory_space<vmem>>, vector<2048x32xf32>
    tpu.vector_store %arg2[%swap3A_16, %swap3A_17], %squeeze3A_15 {strides = array<i32>} : memref<2048x128xf32, #tpu.memory_space<vmem>>, vector<2048x32xf32>,
    return
  }
  func.func @transform_0(%arg0: i32) -> (i32, i32) {
    %c0_i32 = arith.constant 0 : i32
    %c0_i32_0 = arith.constant 0 : i32
    return %c0_i32, %arg0 : i32, i32
  }
  func.func @transform_1(%arg0: i32) -> (i32, i32) {
    %c0_i32 = arith.constant 0 : i32
    %c0_i32_0 = arith.constant 0 : i32
    return %arg0, %c0_i32 : i32, i32
  }
}

</mosaic_0001>

<sc_bundles>
// kernel: kernel.4.cloned.1.call-start
scs
__scs_entry_jumppad:
0x0: {  	(pc) =	sbr.rel $0x88, $3  }
0x1: {  	(tag) =	ssettag $0x0;
	lr =	simm.s32 $0x1  }
0x2: {  	[smem:$0x3F9F] =	sst lr;
	_ =	strace $0xD0000000  }
0x3: {  	_ = 	snop  }
0x4: {  	_ = 	snop  }
0x5: {  	_ = 	snop  }
0x6: {  	_ = 	snop  }
0x7: {  	_ = 	snop  }
__scs_overlays_trampoline_lowered:
0x8: {  	[smem:$0x3FAE] =	sst s0  }
0x9: {  	[smem:$0x3FAF] =	sst s1  }
0xa: {  	[smem:$0x3FB0] =	sst s2  }
0xb: {  	[smem:$0x3FB1] =	sst s3  }
0xc: {  	[smem:$0x3FB2] =	sst s4  }
0xd: {  	[smem:$0x3FB3] =	sst s5  }
0xe: {  	[smem:$0x3FB4] =	sst s6  }
0xf: {  	[smem:$0x3FB5] =	sst s7  }
0x10: {  	[smem:$0x3FB6] =	sst s8  }
0x11: {  	[smem:$0x3FB7] =	sst s9;
	s0 =	simm.s32 @!p0 $0x0  }
0x12: {  	s1 =	sld [smem:$0x3F9D];
	s0 =	simm.s32 @p0 $0x1  }
0x13: {  	[smem:$0x3FB8] =	sst s0;
	s0 =	simm.s32 @!p1 $0x0  }
0x14: {  	s2 =	sld [smem:$0x3F9C];
	s0 =	simm.s32 @p1 $0x1  }
0x15: {  	[smem:$0x3FB9] =	sst s0;
	s0 =	simm.s32 @!p2 $0x0  }
0x16: {  	s3 =	sld [smem:$0x3FDB];
	s0 =	simm.s32 @p2 $0x1  }
0x17: {  	s4 =	simm.s32 $0x1BF5;
	[smem:$0x3FBB] =	sst s0  }
0x18: {  	s0 =	sld [smem:$0x3F9E];
	_ =	swait.ge [sflag:s4], $0x0  }
0x19: {  	s7 =	sld [smem:$0x3F9F]  }
0x1a: {  	s8 =	sadd.s32 $0xFFFFE003, lr  }
0x1b: {  	s9 =	sadd.s32 $0xFFFFFEF7, lr;
	s5 =	simm.s32 $0xFFFFFFFF;
	p2 =	slt.u32 s8, $0xFFFFF086  }
0x1c: {  	p1 =	slt.u32 s9, $0xF7A;
	s5 =	simm.s32 @!p2 $0x0  }
0x1d: {  	s5 =	simm.s32 @p1 $0x1;
	p0 =	seq.s32 s7, s2  }
0x1e: {  	s7 =	smul.u32 @!p0 $0xF7A, s2;
	p2 =	seq.s32 @!p0 s5, $0x0  }
0x1f: {  	s9 =	smul.u32 $0xF7A, s1;
	s8 =	simm.s32 @!p0 $0x1BF5;
	p2 =	por !p2, p0  }
0x20: {  	[sflag:s8] =	ssyncset.s32 @!p0 $0xFFFFF086;
	s6 =	sadd.s32 @!p0 s3, s7;
	s7 =	simm.s32 @!p0 $0x108  }
0x21: {  	s3 =	sadd.s32 s3, s9;
	s6 =	sadd.s32 @!p0 $0x88, s6;
	s7 =	simm.s32 @p2 $0x1082  }
0x22: {  	[simem:s7], [sflag:s8] =	dma.local @!p0 [hbm:s6], $0xF7A  }
0x23: {  	s9 =	sor.u32 $0xD0000000, s2;
	s6 =	simm.s32 $0x108;
	_ =	swait.ge @!p0 [sflag:s8], $0x0  }
0x24: {  	s3 =	sadd.s32 $0x88, s3;
	s6 =	simm.s32 @!p1 $0x1082;
	[sflag:s4] =	ssyncset.s32 $0xFFFFF086  }
0x25: {  	[simem:s6], [sflag:s4] =	dma.local [hbm:s3], $0xF7A  }
0x26: {  	[smem:$0x3F9F] =	sst s1;
	(tag) =	ssettag s2;
	_ =	strace s9  }
0x27: {  	s1 =	sld [smem:$0x3FAF]  }
0x28: {  	s2 =	sld [smem:$0x3FB0]  }
0x29: {  	s4 =	sld [smem:$0x3FB2]  }
0x2a: {  	p0 =	seq.s32 s5, $0x0;
	s5 =	sld [smem:$0x3FB3]  }
0x2b: {  	s6 =	sld [smem:$0x3FB4]  }
0x2c: {  	s7 =	sld [smem:$0x3FB5]  }
0x2d: {  	s3 =	simm.s32 $0x108;
	s8 =	sld [smem:$0x3FB6]  }
0x2e: {  	s3 =	simm.s32 @!p0 $0x1082;
	s9 =	sld [smem:$0x3FB7]  }
0x2f: {  	lr =	sadd.s32 s0, s3;
	s0 =	sld [smem:$0x3FAE]  }
0x30: {  	s3 =	sld [smem:$0x3FB1]  }
0x31: {  	[smem:$0x3FBA] =	sst s10  }
0x32: {  	s10 =	sld [smem:$0x3FB8];
	_ =	sdelay $0x3  }
0x33: {  	p0 =	seq.s32 s10, $0x1;
	s10 =	sld [smem:$0x3FBA];
	_ =	sdelay $0x3  }
0x34: {  	[smem:$0x3FBA] =	sst s10  }
0x35: {  	s10 =	sld [smem:$0x3FB9];
	_ =	sdelay $0x3  }
0x36: {  	p1 =	seq.s32 s10, $0x1;
	s10 =	sld [smem:$0x3FBA];
	_ =	sdelay $0x3  }
0x37: {  	[smem:$0x3FBA] =	sst s10  }
0x38: {  	s10 =	sld [smem:$0x3FBB]  }
0x39: {  	_ = 	snop;
	(pc) =	sbr.ind lr, $3  }
0x3a: {  	_ = 	snop  }
0x3b: {  	_ = 	snop  }
0x3c: {  	p2 =	seq.s32 s10, $0x1;
	s10 =	sld [smem:$0x3FBA]  }
0x3d: {  	_ =	shalt  }
0x3e: {  	_ =	shalt  }
0x3f: {  	_ =	shalt  }
0x40: {  	_ =	shalt  }
0x41: {  	_ =	shalt  }
0x42: {  	_ =	shalt  }
0x43: {  	_ =	shalt  }
0x44: {  	_ =	shalt  }
0x45: {  	_ =	shalt  }
0x46: {  	_ =	shalt  }
0x47: {  	_ =	shalt  }
0x48: {  	_ =	shalt  }
0x49: {  	_ =	shalt  }
0x4a: {  	_ =	shalt  }
0x4b: {  	_ =	shalt  }
0x4c: {  	_ =	shalt  }
0x4d: {  	_ =	shalt  }
0x4e: {  	_ =	shalt  }
0x4f: {  	_ =	shalt  }
0x50: {  	_ =	shalt  }
0x51: {  	_ =	shalt  }
0x52: {  	_ =	shalt  }
0x53: {  	_ =	shalt  }
0x54: {  	_ =	shalt  }
0x55: {  	_ =	shalt  }
0x56: {  	_ =	shalt  }
0x57: {  	_ =	shalt  }
0x58: {  	_ =	shalt  }
0x59: {  	_ =	shalt  }
0x5a: {  	_ =	shalt  }
0x5b: {  	_ =	shalt  }
0x5c: {  	_ =	shalt  }
0x5d: {  	_ =	shalt  }
0x5e: {  	_ =	shalt  }
0x5f: {  	_ =	shalt  }
0x60: {  	_ =	shalt  }
0x61: {  	_ =	shalt  }
0x62: {  	_ =	shalt  }
0x63: {  	_ =	shalt  }
0x64: {  	_ =	shalt  }
0x65: {  	_ =	shalt  }
0x66: {  	_ =	shalt  }
0x67: {  	_ =	shalt  }
0x68: {  	_ =	shalt  }
0x69: {  	_ =	shalt  }
0x6a: {  	_ =	shalt  }
0x6b: {  	_ =	shalt  }
0x6c: {  	_ =	shalt  }
0x6d: {  	_ =	shalt  }
0x6e: {  	_ =	shalt  }
0x6f: {  	_ =	shalt  }
0x70: {  	_ =	shalt  }
0x71: {  	_ =	shalt  }
0x72: {  	_ =	shalt  }
0x73: {  	_ =	shalt  }
0x74: {  	_ =	shalt  }
0x75: {  	_ =	shalt  }
0x76: {  	_ =	shalt  }
0x77: {  	_ =	shalt  }
0x78: {  	_ =	shalt  }
0x79: {  	_ =	shalt  }
0x7a: {  	_ =	shalt  }
0x7b: {  	_ =	shalt  }
0x7c: {  	_ =	shalt  }
0x7d: {  	_ =	shalt  }
0x7e: {  	_ =	shalt  }
0x7f: {  	_ =	shalt  }
0x80: {  	_ =	shalt  }
0x81: {  	_ =	shalt  }
0x82: {  	_ =	shalt  }
0x83: {  	_ =	shalt  }
0x84: {  	_ =	shalt  }
0x85: {  	_ =	shalt  }
0x86: {  	_ =	shalt  }
0x87: {  	_ =	shalt  }
.Lfunc_end0:
.L_simem_size_0:
called_computation.1_lowered:
.L_overlay_start_0:
0x88: {  	s2 =	sld [smem:$0x3FD9]  }
0x89: {  	s3 =	sld [smem:$0x3FFE];
	_ =	sdelay $0x1  }
0x8a: {  	s1 =	srdreg.scid  }
0x8b: {  	s0 =	sand.u32 $0x1, s1  }
0x8c: {  	s17 =	sshll.u32 s0, $0xA;
	s2 =	sadd.s32 s3, s2  }
0x8d: {  	s2 =	sadd.s32 s2, s17  }
0x8e: {  	[smem:$0x3FC6] =	sst s2  }
0x8f: {  	_ = 	snop  }
0x90: {  	s2 =	sld [smem:$0x3FD0];
	(tm) =	ssettm $0x1  }
0x91: {  	s18 =	sld [smem:$0x3FFB];
	_ =	sdelay $0x3  }
0x92: {  	_ =	strace s18  }
0x93: {  	s3 =	sld [smem:$0x3FFC];
	_ =	sdelay $0x3  }
0x94: {  	_ =	strace s3  }
0x95: {  	s3 =	sld [smem:$0x3FFD];
	_ =	sdelay $0x3  }
0x96: {  	_ =	strace s3  }
0x97: {  	_ =	strace $0x8FFFFFFF  }
0x98: {  	s19 =	sld [smem:$0x3FDB];
	_ =	sdelay $0x1  }
0x99: {  	s4 =	simm.s32 $_scs_section_size  }
0x9a: {  	s5 =	simm.s32 $_size__tile_overlayer_lowered;
	s6 =	simm.s32 $_tile_overlayer_lowered  }
0x9b: {  	s22 =	simm.s32 $0x1BFF;
	s21 =	sshll.u32 s6, $0x1;
	s3 =	sadd.s32 s4, s19  }
0x9c: {  	s7 =	simm.s32 $0x0;
	s20 =	sshll.u32 s5, $0x1;
	s5 =	sadd.s32 s21, s3  }
0x9d: {  	[timem:s7], [sflag:s22] =	dma.local [hbm:s5], s20  }
0x9e: {  	_ =	swait.ge [sflag:s22], s20  }
0x9f: {  	s4 =	ssub.s32 $0x0, s20;
	[sflag:s22] =	ssyncset.done $0x0  }
0xa0: {  	[sflag:s22] =	ssyncadd.s32 s4;
	_ =	sdelay $0x1  }
0xa1: {  	s23 =	simm.s32 $0x1B8B  }
0xa2: {  	_ =	swait.ge [sflag:s23], $0x1  }
0xa3: {  	[sflag:s23] =	ssyncset.done $0x0  }
0xa4: {  	s25 =	simm.s32 $0x1B8E;
	s24 =	sld [smem:$0x3FFE];
	[sflag:s23] =	ssyncadd.s32 $0xFFFFFFFF  }
0xa5: {  	s26 =	simm.s32 $execute0_lowered;
	[smem:$0x3FD2] =	sst s25  }
0xa6: {  	s5 =	sshll.u32 s26, $0x1;
	_ =	strace $0x80000046;
	[dreg:$0x1] =	wrdreg $0xFFFFFFFF  }
0xa7: {  	s28 =	simm.s32 $_size_execute0_lowered;
	s3 =	sadd.s32 s3, s5;
	[dreg:$0x0] =	wrdreg $0x0  }
0xa8: {  	s5 =	sshll.u32 s28, $0x1;
	[dreg:$0x2] =	wrdreg s3  }
0xa9: {  	[dreg:$0x3] =	wrdreg s5  }
0xaa: {  	[dreg:$0x4] =	wrdreg $0xC0  }
0xab: {  	_ =	task [dreg:s7], $0x5FFFF  }
0xac: {  	[dreg:$0x1] =	wrdreg $0xFFFFFFFF  }
0xad: {  	[dreg:$0x0] =	wrdreg $0x60  }
0xae: {  	[dreg:$0x2] =	wrdreg s24  }
0xaf: {  	[dreg:$0x3] =	wrdreg s2  }
0xb0: {  	[dreg:$0x4] =	wrdreg $0x9  }
0xb1: {  	_ =	task.clear_ibuf [dreg:s7], $0x5FFFF;
	_ =	strace $0x90000046  }
0xb2: {  	s29 =	simm.s32 $0x9;
	_ =	strace $0x80000048  }
0xb3: {  	_ =	swait.ge [sflag:s29], $0x1  }
0xb4: {  	[sflag:s29] =	ssyncadd.s32 $0xFFFFFFFF  }
0xb5: {  	_ =	strace $0x90000048  }
0xb6: {  	_ =	sfence  }
0xb7: {  	s30 =	sld [smem:$0x0];
	_ =	sdelay $0x2  }
0xb8: {  	s31 =	sshll.u32 s1, $0xD;
	s1 =	sshrl.u32 s1, $0x2  }
0xb9: {  	s3 =	sand.u32 $0x4000, s31;
	s1 =	sadd.s32 s1, s30  }
0xba: {  	s0 =	sor.u32 s3, s0;
	s1 =	sshll.u32 s1, $0x11  }
0xbb: {  	s0 =	sor.u32 s1, s0  }
0xbc: {  	s0 =	sadd.s32 $0x8F2B, s0  }
0xbd: {  	[sflag:s0] =	ssyncadd.remote.s32 $0x1  }
0xbe: {  	_ =	sfence.sel $0xFFFF  }
0xbf: {  	[dreg:$0x0] =	wrdreg $0xFFFFFFFF;
	(pc) =	sbr.abs _section_cstart, $3  }
0xc0: {  	[dreg:$0x1] =	wrdreg $0xFFFFFFFF  }
0xc1: {  	_ =	task.clear_ibuf [dreg:s7], $0x2FFFF;
	_ =	strace $0x9FFFFFFF  }
0xc2: {  	(tm) =	ssettm $0x7FFFFFFF  }
0xc3: {  	_ =	shalt  }
tec
execute0_lowered:
.L_overlay_start_1:
0x0: {  	(tag) =	ssettag $0x1  }
0x1: {  	s0 =	rddreg [dreg:$0x0]  }
0x2: {  	s1 =	rddreg [dreg:$0x1];
	s2 =	srdreg.scid  }
0x3: {  	s7 =	stileid.u32;
	s28 =	simm.s32 $0xEC00;
	s29 =	simm.s32 $0xFC00  }
0x4: {  	s30 =	simm.s32 $0x10C00;
	s31 =	simm.s32 $0x11C00;
	s3 =	sand.u32 $0x1, s2  }
0x5: {  	s2 =	simm.s32 $0x0;
	s4 =	sshll.u32 s7, $0xA;
	s17 =	sadd.s32 $0x9FC800, s0  }
0x6: {  	s18 =	sadd.s32 $0x9FC000, s0;
	s7 =	smul.u32 $0xD0000, s7;
	s5 =	sshll.u32 s3, $0x9  }
0x7: {  	[smem:$0x7FF] =	sst s2;
	s20 =	ssub.s32 $0x2, s3;
	s3 =	smul.u32 $0x68000, s3  }
0x8: {  	s4 =	sor.u32 s5, s4;
	_ =	strace $0x80000047;
	[dreg:$0x3] =	wrdreg s17  }
0x9: {  	[dreg:$0x4] =	wrdreg s18;
	s5 =	sadd.s32 $0xE00, s0;
	s22 =	sshrl.u32 s20, $0x1  }
0xa: {  	s4 =	sadd.s32 s4, s0;
	s0 =	ssub.s32 s20, s22;
	s3 =	sadd.s32 s3, s7  }
0xb: {  	s7 =	simm.s32 $0x0;
	s19 =	sadd.s32 $0x9EC000, s4;
	s6 =	sadd.s32 $0x9EC080, s4  }
0xc: {  	s21 =	sadd.s32 $0x9EC100, s4;
	s8 =	sadd.s32 $0x9EC180, s4;
	[dreg:$0x5] =	wrdreg s19  }
0xd: {  	s23 =	sadd.s32 $0x9F0080, s4;
	s24 =	sadd.s32 $0x9F0000, s4;
	[dreg:$0x6] =	wrdreg s6  }
0xe: {  	s25 =	sadd.s32 $0x9F0100, s4;
	s26 =	sadd.s32 $0x9F0180, s4;
	[dreg:$0x7] =	wrdreg s21  }
0xf: {  	s14 =	sadd.s32 $0x9F4000, s4;
	s15 =	sadd.s32 $0x9F4080, s4;
	[dreg:$0x8] =	wrdreg s8  }
0x10: {  	s16 =	sadd.s32 $0x9F4100, s4;
	s17 =	sadd.s32 $0x9F4180, s4;
	[dreg:$0x9] =	wrdreg s23  }
0x11: {  	s18 =	sadd.s32 $0x9F8000, s4;
	s20 =	sadd.s32 $0x9F8100, s4;
	[dreg:$0xa] =	wrdreg s24  }
0x12: {  	s3 =	sshrl.u32 s3, $0x3;
	s22 =	smax.u32 s0, $0x1;
	[dreg:$0xb] =	wrdreg s25  }
0x13: {  	s0 =	simm.s32 $0x3;
	[dreg:$0xc] =	wrdreg s26;
	s19 =	sadd.s32 $0x9F8080, s4  }
0x14: {  	s21 =	sadd.s32 $0x9F8180, s4;
	s23 =	sadd.s32 s3, s1;
	s24 =	simm.s32 $0x1  }
0x15: {  	s25 =	simm.s32 $0x80;
	s26 =	simm.s32 $0xDC00;
	s1 =	simm.s32 $0x12C00  }
0x16: {  	s3 =	simm.s32 $0x13C00;
	s4 =	simm.s32 $0x14C00;
	s6 =	simm.s32 $0x2  }
.LBB2_1:
0x17: {  	s8 =	rddreg [dreg:$0x5]  }
0x18: {  	[tilespmem:s2], [sflag:$0x1] =	stream.linear.gather [hbm4b:s8+s2], $0x400, $0x38;
	[tilespmem:$0x15C00] =	vst v63  }
0x19: {  	s11 =	rddreg [dreg:$0x6];
	s9 =	simm.s32 $0x400  }
0x1a: {  	[tilespmem:s9], [sflag:$0x1] =	stream.linear.gather [hbm4b:s11+s2], $0x400, $0x38;
	[tilespmem:$0x15C00] =	vst v63  }
0x1b: {  	s12 =	rddreg [dreg:$0x7];
	s13 =	simm.s32 $0x800  }
0x1c: {  	[tilespmem:s13], [sflag:$0x1] =	stream.linear.gather [hbm4b:s12+s2], $0x400, $0x38;
	[tilespmem:$0x15C00] =	vst v63  }
0x1d: {  	s10 =	rddreg [dreg:$0x8];
	s11 =	simm.s32 $0xC00  }
0x1e: {  	[tilespmem:s11], [sflag:$0x1] =	stream.linear.gather [hbm4b:s10+s2], $0x400, $0x38;
	[tilespmem:$0x15C00] =	vst v63  }
0x1f: {  	s12 =	rddreg [dreg:$0xa];
	s13 =	simm.s32 $0x1000  }
0x20: {  	[tilespmem:s13], [sflag:$0x1] =	stream.linear.gather [hbm4b:s12+s2], $0x400, $0x38;
	[tilespmem:$0x15C00] =	vst v63  }
0x21: {  	s10 =	rddreg [dreg:$0x9];
	s11 =	simm.s32 $0x1400  }
0x22: {  	[tilespmem:s11], [sflag:$0x1] =	stream.linear.gather [hbm4b:s10+s2], $0x400, $0x38;
	[tilespmem:$0x15C00] =	vst v63  }
0x23: {  	s12 =	rddreg [dreg:$0xb];
	s13 =	simm.s32 $0x1800  }
0x24: {  	[tilespmem:s13], [sflag:$0x1] =	stream.linear.gather [hbm4b:s12+s2], $0x400, $0x38;
	[tilespmem:$0x15C00] =	vst v63  }
0x25: {  	s10 =	rddreg [dreg:$0xc];
	s11 =	simm.s32 $0x1C00  }
0x26: {  	[tilespmem:s11], [sflag:$0x1] =	stream.linear.gather [hbm4b:s10+s2], $0x400, $0x38;
	[tilespmem:$0x15C00] =	vst v63  }
0x27: {  	s12 =	simm.s32 $0x2000  }
0x28: {  	[tilespmem:s12], [sflag:$0x1] =	stream.linear.gather [hbm4b:s14+s2], $0x400, $0x38;
	[tilespmem:$0x15C00] =	vst v63  }
0x29: {  	s13 =	simm.s32 $0x2400  }
0x2a: {  	[tilespmem:s13], [sflag:$0x1] =	stream.linear.gather [hbm4b:s15+s2], $0x400, $0x38;
	[tilespmem:$0x15C00] =	vst v63  }
0x2b: {  	s9 =	simm.s32 $0x2800  }
0x2c: {  	[tilespmem:s9], [sflag:$0x1] =	stream.linear.gather [hbm4b:s16+s2], $0x400, $0x38;
	[tilespmem:$0x15C00] =	vst v63  }
0x2d: {  	s10 =	simm.s32 $0x2C00  }
0x2e: {  	[tilespmem:s10], [sflag:$0x1] =	stream.linear.gather [hbm4b:s17+s2], $0x400, $0x38;
	[tilespmem:$0x15C00] =	vst v63  }
0x2f: {  	s11 =	simm.s32 $0x3000  }
0x30: {  	[tilespmem:s11], [sflag:$0x1] =	stream.linear.gather [hbm4b:s18+s2], $0x400, $0x38;
	[tilespmem:$0x15C00] =	vst v63  }
0x31: {  	s12 =	simm.s32 $0x3400  }
0x32: {  	[tilespmem:s12], [sflag:$0x1] =	stream.linear.gather [hbm4b:s19+s2], $0x400, $0x38;
	[tilespmem:$0x15C00] =	vst v63  }
0x33: {  	s13 =	simm.s32 $0x3800  }
0x34: {  	[tilespmem:s13], [sflag:$0x1] =	stream.linear.gather [hbm4b:s20+s2], $0x400, $0x38;
	[tilespmem:$0x15C00] =	vst v63  }
0x35: {  	s9 =	simm.s32 $0x3C00  }
0x36: {  	[tilespmem:s9], [sflag:$0x1] =	stream.linear.gather [hbm4b:s21+s2], $0x400, $0x38;
	[tilespmem:$0x15C00] =	vst v63  }
0x37: {  	s10 =	rddreg [dreg:$0x3];
	s11 =	simm.s32 $0x4000  }
0x38: {  	[tilespmem:s11], [sflag:$0x3] =	stream.linear.gather [hbm4b:s10+s2], $0x3400, $0x38;
	[tilespmem:$0x15C00] =	vst v63  }
0x39: {  	_ =	swait.ge [sflag:s0], $0x3400  }
0x3a: {  	[sflag:s0] =	ssyncset.done $0x0  }
0x3b: {  	s13 =	simm.s32 $0x7400;
	s12 =	rddreg [dreg:$0x4];
	[sflag:s0] =	ssyncadd.s32 $0xFFFFCC00  }
0x3c: {  	[tilespmem:s13], [sflag:$0x3] =	stream.linear.gather [hbm4b:s12+s2], $0x3400, $0x38;
	[tilespmem:$0x15C00] =	vst v63  }
0x3d: {  	_ =	swait.ge [sflag:s0], $0x3400  }
0x3e: {  	[sflag:s0] =	ssyncset.done $0x0  }
0x3f: {  	[sflag:s0] =	ssyncadd.s32 $0xFFFFCC00  }
0x40: {  	_ =	swait.ge [sflag:s24], $0x4000  }
0x41: {  	[sflag:s24] =	ssyncset.done $0x0  }
0x42: {  	s9 =	simm.s32 $0x0;
	[sflag:s24] =	ssyncadd.s32 $0xFFFFC000  }
0x43: {  	v0 =	vld [tilespmem:s9+$0x4000];
	_ =	sdelay $0x5  }
0x44: {  	v1 =	vld [tilespmem:s9+$0x4010]  }
0x45: {  	v2 =	vld [tilespmem:s9+$0x7400]  }
0x46: {  	v0 =	vld.idx.msk [tilespmem:v0+s2+$0x0], $0xffff;
	_ =	sdelay $0x4  }
0x47: {  	v0 =	vadd.s32 v0, v2;
	v2 =	vld [tilespmem:s9+$0x7410]  }
0x48: {  	[tilespmem:s9+$0xA800] =	vst v0;
	v0 =	vld [tilespmem:s9+$0x4020]  }
0x49: {  	v1 =	vld.idx.msk [tilespmem:v1+s2+$0x0], $0xffff;
	_ =	sdelay $0x4  }
0x4a: {  	v1 =	vadd.s32 v1, v2;
	v2 =	vld [tilespmem:s9+$0x7420]  }
0x4b: {  	[tilespmem:s9+$0xA810] =	vst v1;
	v1 =	vld [tilespmem:s9+$0x4030]  }
0x4c: {  	v0 =	vld.idx.msk [tilespmem:v0+s2+$0x0], $0xffff;
	_ =	sdelay $0x4  }
0x4d: {  	v0 =	vadd.s32 v0, v2;
	v2 =	vld [tilespmem:s9+$0x7430]  }
0x4e: {  	[tilespmem:s9+$0xA820] =	vst v0;
	v0 =	vld [tilespmem:s9+$0x4040]  }
0x4f: {  	v1 =	vld.idx.msk [tilespmem:v1+s2+$0x0], $0xffff;
	_ =	sdelay $0x4  }
0x50: {  	v1 =	vadd.s32 v1, v2;
	v2 =	vld [tilespmem:s9+$0x7440]  }
0x51: {  	[tilespmem:s9+$0xA830] =	vst v1;
	v1 =	vld [tilespmem:s9+$0x4050]  }
0x52: {  	v0 =	vld.idx.msk [tilespmem:v0+s2+$0x0], $0xffff;
	_ =	sdelay $0x4  }
0x53: {  	v0 =	vadd.s32 v0, v2;
	v2 =	vld [tilespmem:s9+$0x7450]  }
0x54: {  	[tilespmem:s9+$0xA840] =	vst v0;
	v0 =	vld [tilespmem:s9+$0x4060]  }
0x55: {  	v1 =	vld.idx.msk [tilespmem:v1+s2+$0x0], $0xffff;
	_ =	sdelay $0x4  }
0x56: {  	v1 =	vadd.s32 v1, v2;
	v2 =	vld [tilespmem:s9+$0x7460]  }
0x57: {  	[tilespmem:s9+$0xA850] =	vst v1;
	v1 =	vld [tilespmem:s9+$0x4070]  }
0x58: {  	v0 =	vld.idx.msk [tilespmem:v0+s2+$0x0], $0xffff;
	_ =	sdelay $0x4  }
0x59: {  	s11 =	simm.s32 $0x80;
	v2 =	vadd.s32 v0, v2  }
0x5a: {  	s8 =	simm.s32 $0x0;
	s10 =	simm.s32 $0x400;
	v0 =	vld [tilespmem:s11+$0x4000];
	[tilespmem:s9+$0xA860] =	vst v2  }
.LBB2_2:
0x5b: {  	p0 =	sne.s32 s10, $0xCE00;
	v1 =	vld.idx.msk [tilespmem:v1+s8+$0x0], $0xffff  }
0x5c: {  	v2 =	vld [tilespmem:s9+$0x7470];
	_ =	sdelay $0x4  }
0x5d: {  	v1 =	vadd.s32 v1, v2  }
0x5e: {  	s8 =	simm.s32 $0x0;
	v2 =	vld [tilespmem:s11+$0x4010];
	[tilespmem:s9+$0xA870] =	vst v1;
	s9 =	smov.u32 s11  }
0x5f: {  	v0 =	vld.idx.msk [tilespmem:v0+s8+$0x0], $0xffff  }
0x60: {  	v1 =	vld [tilespmem:s9+$0x7400];
	_ =	sdelay $0x4  }
0x61: {  	v0 =	vadd.s32 v0, v1  }
0x62: {  	[tilespmem:s9+$0xA800] =	vst v0;
	v0 =	vld [tilespmem:s9+$0x4020]  }
0x63: {  	v1 =	vld.idx.msk [tilespmem:v2+s8+$0x0], $0xffff  }
0x64: {  	v2 =	vld [tilespmem:s9+$0x7410];
	_ =	sdelay $0x4  }
0x65: {  	v1 =	vadd.s32 v1, v2  }
0x66: {  	[tilespmem:s9+$0xA810] =	vst v1;
	v1 =	vld [tilespmem:s9+$0x4030]  }
0x67: {  	v0 =	vld.idx.msk [tilespmem:v0+s8+$0x0], $0xffff  }
0x68: {  	v2 =	vld [tilespmem:s9+$0x7420];
	_ =	sdelay $0x4  }
0x69: {  	v0 =	vadd.s32 v0, v2  }
0x6a: {  	[tilespmem:s9+$0xA820] =	vst v0;
	v0 =	vld [tilespmem:s9+$0x4040]  }
0x6b: {  	v1 =	vld.idx.msk [tilespmem:v1+s8+$0x0], $0xffff  }
0x6c: {  	v2 =	vld [tilespmem:s9+$0x7430];
	_ =	sdelay $0x4  }
0x6d: {  	v1 =	vadd.s32 v1, v2  }
0x6e: {  	[tilespmem:s9+$0xA830] =	vst v1;
	v1 =	vld [tilespmem:s9+$0x4050]  }
0x6f: {  	v0 =	vld.idx.msk [tilespmem:v0+s8+$0x0], $0xffff  }
0x70: {  	v2 =	vld [tilespmem:s9+$0x7440];
	_ =	sdelay $0x4  }
0x71: {  	v0 =	vadd.s32 v0, v2  }
0x72: {  	[tilespmem:s9+$0xA840] =	vst v0;
	v0 =	vld [tilespmem:s9+$0x4060]  }
0x73: {  	v1 =	vld.idx.msk [tilespmem:v1+s8+$0x0], $0xffff  }
0x74: {  	v2 =	vld [tilespmem:s9+$0x7450];
	_ =	sdelay $0x4  }
0x75: {  	v1 =	vadd.s32 v1, v2  }
0x76: {  	[tilespmem:s9+$0xA850] =	vst v1;
	v1 =	vld [tilespmem:s9+$0x4070]  }
0x77: {  	v0 =	vld.idx.msk [tilespmem:v0+s8+$0x0], $0xffff  }
0x78: {  	v2 =	vld [tilespmem:s9+$0x7460];
	_ =	sdelay $0x1  }
.Ltmp0:
0x79: {  	(pc) =	sbr.rel @p0 .LBB2_2-.Ltmp0, $3  }
0x7a: {  	_ =	sdelay $0x1  }
0x7b: {  	s11 =	sshra.s32 s10, $0x2;
	v2 =	vadd.s32 v0, v2  }
0x7c: {  	s10 =	sadd.s32 $0x200, s10;
	v0 =	vld [tilespmem:s11+$0x4000];
	[tilespmem:s9+$0xA860] =	vst v2  }
0x7d: {  	_ =	sdelay $0x3  }
0x7e: {  	v1 =	vld.idx.msk [tilespmem:v1+s8+$0x0], $0xffff  }
0x7f: {  	v2 =	vld [tilespmem:s9+$0x7470];
	_ =	sdelay $0x4  }
0x80: {  	v1 =	vadd.s32 v1, v2  }
0x81: {  	v49 =	vld [tilespmem:s11+$0x4010];
	[tilespmem:s9+$0xA870] =	vst v1  }
0x82: {  	v0 =	vld.idx.msk [tilespmem:v0+s8+$0x0], $0xffff  }
0x83: {  	v1 =	vld [tilespmem:s11+$0x7400];
	_ =	sdelay $0x4  }
0x84: {  	v50 =	vld [tilespmem:s11+$0x4020];
	v0 =	vadd.s32 v0, v1  }
0x85: {  	v52 =	vld [tilespmem:s11+$0x7410];
	[tilespmem:s11+$0xA800] =	vst v0  }
0x86: {  	v51 =	vld.idx.msk [tilespmem:v49+s8+$0x0], $0xffff;
	_ =	sdelay $0x4  }
0x87: {  	v53 =	vld [tilespmem:s11+$0x4030];
	v1 =	vadd.s32 v51, v52  }
0x88: {  	v54 =	vld [tilespmem:s11+$0x7420];
	[tilespmem:s11+$0xA810] =	vst v1  }
0x89: {  	v0 =	vld.idx.msk [tilespmem:v50+s8+$0x0], $0xffff;
	_ =	sdelay $0x4  }
0x8a: {  	v55 =	vld [tilespmem:s11+$0x4040];
	v0 =	vadd.s32 v0, v54  }
0x8b: {  	v56 =	vld [tilespmem:s11+$0x7430];
	[tilespmem:s11+$0xA820] =	vst v0  }
0x8c: {  	v1 =	vld.idx.msk [tilespmem:v53+s8+$0x0], $0xffff;
	_ =	sdelay $0x4  }
0x8d: {  	v57 =	vld [tilespmem:s11+$0x4050];
	v1 =	vadd.s32 v1, v56  }
0x8e: {  	v58 =	vld [tilespmem:s11+$0x7440];
	[tilespmem:s11+$0xA830] =	vst v1  }
0x8f: {  	v0 =	vld.idx.msk [tilespmem:v55+s8+$0x0], $0xffff;
	_ =	sdelay $0x4  }
0x90: {  	v59 =	vld [tilespmem:s11+$0x4060];
	v0 =	vadd.s32 v0, v58  }
0x91: {  	v60 =	vld [tilespmem:s11+$0x7450];
	[tilespmem:s11+$0xA840] =	vst v0  }
0x92: {  	v1 =	vld.idx.msk [tilespmem:v57+s8+$0x0], $0xffff;
	_ =	sdelay $0x4  }
0x93: {  	v61 =	vld [tilespmem:s11+$0x4070];
	v1 =	vadd.s32 v1, v60  }
0x94: {  	v62 =	vld [tilespmem:s11+$0x7460];
	[tilespmem:s11+$0xA850] =	vst v1  }
0x95: {  	v0 =	vld.idx.msk [tilespmem:v59+s8+$0x0], $0xffff;
	_ =	sdelay $0x4  }
0x96: {  	v0 =	vadd.s32 v0, v62  }
0x97: {  	v63 =	vld [tilespmem:s11+$0x7470];
	[tilespmem:s11+$0xA860] =	vst v0  }
0x98: {  	v0 =	vld.idx.msk [tilespmem:v61+s8+$0x0], $0xffff  }
0x99: {  	p1 =	por $0x1, $0x1  }
.Ltmp1:
0x9a: {  	_ = 	snop;
	(pc) =	sbr.rel @!p1 .LBB2_8-.Ltmp1, $3  }
0x9b: {  	_ =	sdelay $0x1  }
0x9c: {  	v0 =	vadd.s32 v0, v63  }
0x9d: {  	s10 =	simm.s32 $0x0;
	p0 =	por $0x0, $0x0;
	s9 =	simm.s32 $0x1000;
	[tilespmem:s11+$0xA870] =	vst v0  }
0x9e: {  	s8 =	simm.s32 $0xA800  }
0x9f: {  	[tilespmem:s26], [sflag:$0x2] =	stream.indirect.gather [hbm4b:s5+s25], $0x20, s8, s25, $0xb8;
	[tilespmem:$0x15C00] =	vst v63  }
0xa0: {  	s10 =	simm.s32 $0xA880  }
0xa1: {  	[tilespmem:s28], [sflag:$0x2] =	stream.indirect.gather [hbm4b:s5+s25], $0x20, s10, s25, $0xb8;
	[tilespmem:$0x15C00] =	vst v63  }
0xa2: {  	s11 =	simm.s32 $0xA900  }
0xa3: {  	[tilespmem:s29], [sflag:$0x2] =	stream.indirect.gather [hbm4b:s5+s25], $0x20, s11, s25, $0xb8;
	[tilespmem:$0x15C00] =	vst v63  }
0xa4: {  	s12 =	simm.s32 $0xA980  }
0xa5: {  	[tilespmem:s30], [sflag:$0x2] =	stream.indirect.gather [hbm4b:s5+s25], $0x20, s12, s25, $0xb8;
	[tilespmem:$0x15C00] =	vst v63  }
0xa6: {  	s13 =	simm.s32 $0xAA00  }
0xa7: {  	[tilespmem:s31], [sflag:$0x2] =	stream.indirect.gather [hbm4b:s5+s25], $0x20, s13, s25, $0xb8;
	[tilespmem:$0x15C00] =	vst v63  }
0xa8: {  	s10 =	simm.s32 $0xAA80  }
0xa9: {  	[tilespmem:s1], [sflag:$0x2] =	stream.indirect.gather [hbm4b:s5+s25], $0x20, s10, s25, $0xb8;
	[tilespmem:$0x15C00] =	vst v63  }
0xaa: {  	s11 =	simm.s32 $0xAB00  }
0xab: {  	[tilespmem:s3], [sflag:$0x2] =	stream.indirect.gather [hbm4b:s5+s25], $0x20, s11, s25, $0xb8;
	[tilespmem:$0x15C00] =	vst v63  }
0xac: {  	s12 =	simm.s32 $0xAB80  }
0xad: {  	[tilespmem:s4], [sflag:$0x2] =	stream.indirect.gather [hbm4b:s5+s25], $0x20, s12, s25, $0xb8;
	[tilespmem:$0x15C00] =	vst v63  }
0xae: {  	p1 =	por $0x1, $0x1;
	_ =	swait.ge [sflag:s6], $0x8000  }
.Ltmp2:
0xaf: {  	[sflag:s6] =	ssyncset.done $0x0;
	(pc) =	sbr.rel @!p1 .LBB2_5-.Ltmp2, $4  }
0xb0: {  	s13 =	sadd.s32 $0x0, s23;
	[sflag:s6] =	ssyncadd.s32 $0xFFFF8000  }
0xb1: {  	[hbm4b:s13+s2] =	stream.linear.scatter [tilespmem:s26], [sflag:$0x3], $0x8000, $0x38;
	[tilespmem:$0x15C00] =	vst v63  }
0xb2: {  	p0 =	por $0x1, $0x1;
	_ =	swait.ge [sflag:s0], $0x8000  }
0xb3: {  	s8 =	simm.s32 $0x2000;
	s10 =	simm.s32 $0x400;
	[sflag:s0] =	ssyncset.done $0x0  }
.LBB2_6:
0xb4: {  	s11 =	sadd.s32 $0xA800, s10  }
0xb5: {  	[sflag:s0] =	ssyncadd.s32 $0xFFFF8000;
	s12 =	smov.u32 s8;
	s13 =	sadd.s32 $0x1000, s8  }
0xb6: {  	[tilespmem:s26], [sflag:$0x2] =	stream.indirect.gather [hbm4b:s5+s25], $0x20, s11, s25, $0xb8;
	[tilespmem:$0x15C00] =	vst v63  }
0xb7: {  	p1 =	sne.s32 s8, $0xC000;
	s8 =	sadd.s32 $0xA880, s10  }
0xb8: {  	[tilespmem:s28], [sflag:$0x2] =	stream.indirect.gather [hbm4b:s5+s25], $0x20, s8, s25, $0xb8;
	[tilespmem:$0x15C00] =	vst v63  }
0xb9: {  	s8 =	sadd.s32 $0xA900, s10  }
0xba: {  	[tilespmem:s29], [sflag:$0x2] =	stream.indirect.gather [hbm4b:s5+s25], $0x20, s8, s25, $0xb8;
	[tilespmem:$0x15C00] =	vst v63  }
0xbb: {  	s8 =	sadd.s32 $0xA980, s10  }
0xbc: {  	[tilespmem:s30], [sflag:$0x2] =	stream.indirect.gather [hbm4b:s5+s25], $0x20, s8, s25, $0xb8;
	[tilespmem:$0x15C00] =	vst v63  }
0xbd: {  	s8 =	sadd.s32 $0xAA00, s10  }
0xbe: {  	[tilespmem:s31], [sflag:$0x2] =	stream.indirect.gather [hbm4b:s5+s25], $0x20, s8, s25, $0xb8;
	[tilespmem:$0x15C00] =	vst v63  }
0xbf: {  	s8 =	sadd.s32 $0xAA80, s10  }
0xc0: {  	[tilespmem:s1], [sflag:$0x2] =	stream.indirect.gather [hbm4b:s5+s25], $0x20, s8, s25, $0xb8;
	[tilespmem:$0x15C00] =	vst v63  }
0xc1: {  	s8 =	sadd.s32 $0xAB00, s10  }
0xc2: {  	[tilespmem:s3], [sflag:$0x2] =	stream.indirect.gather [hbm4b:s5+s25], $0x20, s8, s25, $0xb8;
	[tilespmem:$0x15C00] =	vst v63  }
0xc3: {  	s8 =	sadd.s32 $0xAB80, s10  }
0xc4: {  	[tilespmem:s4], [sflag:$0x2] =	stream.indirect.gather [hbm4b:s5+s25], $0x20, s8, s25, $0xb8;
	[tilespmem:$0x15C00] =	vst v63  }
0xc5: {  	_ =	swait.ge [sflag:s6], $0x8000  }
.Ltmp3:
0xc6: {  	[sflag:s6] =	ssyncset.done $0x0;
	(pc) =	sbr.rel @p1 .LBB2_6-.Ltmp3, $4  }
0xc7: {  	s8 =	sadd.s32 s9, s23;
	s9 =	smov.u32 s12;
	[sflag:s6] =	ssyncadd.s32 $0xFFFF8000  }
0xc8: {  	[hbm4b:s8+s2] =	stream.linear.scatter [tilespmem:s26], [sflag:$0x3], $0x8000, $0x38;
	[tilespmem:$0x15C00] =	vst v63  }
0xc9: {  	_ =	swait.ge [sflag:s0], $0x8000  }
0xca: {  	s10 =	sshra.s32 s9, $0x2;
	s8 =	smov.u32 s13;
	[sflag:s0] =	ssyncset.done $0x0  }
0xcb: {  	s8 =	smov.u32 s9  }
.LBB2_8:
0xcc: {  	s9 =	sadd.s32 $0xA800, s10;
	[sflag:s0] =	ssyncadd.s32 @p0 $0xFFFF8000  }
0xcd: {  	[tilespmem:s26], [sflag:$0x2] =	stream.indirect.gather [hbm4b:s5+s25], $0x20, s9, s25, $0xb8;
	[tilespmem:$0x15C00] =	vst v63  }
0xce: {  	s13 =	sadd.s32 $0xA880, s10  }
0xcf: {  	[tilespmem:s28], [sflag:$0x2] =	stream.indirect.gather [hbm4b:s5+s25], $0x20, s13, s25, $0xb8;
	[tilespmem:$0x15C00] =	vst v63  }
0xd0: {  	s11 =	sadd.s32 $0xA900, s10  }
0xd1: {  	[tilespmem:s29], [sflag:$0x2] =	stream.indirect.gather [hbm4b:s5+s25], $0x20, s11, s25, $0xb8;
	[tilespmem:$0x15C00] =	vst v63  }
0xd2: {  	s12 =	sadd.s32 $0xA980, s10  }
0xd3: {  	[tilespmem:s30], [sflag:$0x2] =	stream.indirect.gather [hbm4b:s5+s25], $0x20, s12, s25, $0xb8;
	[tilespmem:$0x15C00] =	vst v63  }
0xd4: {  	s13 =	sadd.s32 $0xAA00, s10  }
0xd5: {  	[tilespmem:s31], [sflag:$0x2] =	stream.indirect.gather [hbm4b:s5+s25], $0x20, s13, s25, $0xb8;
	[tilespmem:$0x15C00] =	vst v63  }
0xd6: {  	s11 =	sadd.s32 $0xAA80, s10  }
0xd7: {  	[tilespmem:s1], [sflag:$0x2] =	stream.indirect.gather [hbm4b:s5+s25], $0x20, s11, s25, $0xb8;
	[tilespmem:$0x15C00] =	vst v63  }
0xd8: {  	s12 =	sadd.s32 $0xAB00, s10  }
0xd9: {  	[tilespmem:s3], [sflag:$0x2] =	stream.indirect.gather [hbm4b:s5+s25], $0x20, s12, s25, $0xb8;
	[tilespmem:$0x15C00] =	vst v63  }
0xda: {  	s13 =	sadd.s32 $0xAB80, s10  }
0xdb: {  	[tilespmem:s4], [sflag:$0x2] =	stream.indirect.gather [hbm4b:s5+s25], $0x20, s13, s25, $0xb8;
	[tilespmem:$0x15C00] =	vst v63  }
0xdc: {  	_ =	swait.ge [sflag:s6], $0x8000  }
0xdd: {  	s7 =	sadd.s32 $0x1, s7;
	[sflag:s6] =	ssyncset.done $0x0  }
0xde: {  	s8 =	sadd.s32 s8, s23;
	p0 =	sne.s32 s7, s22;
	[sflag:s6] =	ssyncadd.s32 $0xFFFF8000  }
0xdf: {  	[hbm4b:s8+s2] =	stream.linear.scatter [tilespmem:s26], [sflag:$0x3], $0x8000, $0x38;
	[tilespmem:$0x15C00] =	vst v63  }
.Ltmp4:
0xe0: {  	_ = 	snop;
	(pc) =	sbr.rel @p0 .LBB2_1-.Ltmp4, $4  }
.Ltmp5:
0xe1: {  	_ = 	snop;
	(pc) =	sbr.rel @!p0 .LBB2_9-.Ltmp5, $4  }
0xe2: {  	_ =	swait.ge [sflag:s0], $0x8000  }
0xe3: {  	[sflag:s0] =	ssyncset.done $0x0  }
0xe4: {  	[sflag:s0] =	ssyncadd.s32 $0xFFFF8000  }
0xe5: {  	_ = 	snop  }
.LBB2_5:
.Ltmp6:
0xe6: {  	(pc) =	sbr.rel .LBB2_8-.Ltmp6, $2  }
0xe7: {  	_ =	sdelay $0x2  }
0xe8: {  	s8 =	simm.s32 $0x1000  }
.LBB2_9:
0xe9: {  	_ =	sfence.sel $0x180000  }
0xea: {  	[bflag:$0x0] =	sbarrier.arrive $0xFFFF  }
0xeb: {  	_ =	strace $0x90000047  }
0xec: {  	s0 =	stileid.u32;
	[bflag:$0x2] =	sbarrier.arrive $0xFFFF  }
0xed: {  	p0 =	sne.s32 s0, $0x0;
	s0 =	rddreg [dreg:$0x2]  }
0xee: {  	s0 =	sadd.s32 @!p0 $0x100000, s0  }
0xef: {  	[sflag:s0] =	ssyncadd.tile.s32 @!p0 $0x1;
	_ =	shalt  }
.Lfunc_end2:
_tile_overlayer_lowered:
.L_overlay_start_2:
0xf0: {  	(tag) =	ssettag $0x2  }
0xf1: {  	s0 =	rddreg [dreg:$0x0];
	s2 =	stileid.u32  }
0xf2: {  	s1 =	rddreg [dreg:$0x1];
	p0 =	sne.s32 s2, $0x0  }
0xf3: {  	s3 =	rddreg [dreg:$0x2];
	[bflag:$0x3] =	sbarrier.arrive $0xFFFF;
	s2 =	simm.s32 @!p0 $0x1C03  }
0xf4: {  	[timem:s3], [sflag:s2] =	dma.local @!p0 [hbm:s0], s1  }
0xf5: {  	s0 =	simm.s32 @!p0 $0x3  }
0xf6: {  	_ =	swait.ge @!p0 [sflag:s0], s1  }
0xf7: {  	s1 =	ssub.s32 @!p0 $0x0, s1;
	[sflag:s0] =	ssyncset.done @!p0 $0x0  }
0xf8: {  	[sflag:s0] =	ssyncadd.s32 @!p0 s1  }
0xf9: {  	[bflag:$0x3] =	sbarrier.arrive $0xFFFF  }
0xfa: {  	_ =	shalt  }

// kernel: sparse-core-data-format-call.cloned.1.call-start
scs
called_computation_lowered:
.L_overlay_start_0:
0x0: {  	s2 =	sld [smem:$0x3FD9]  }
0x1: {  	s3 =	sld [smem:$0x3FFE];
	_ =	sdelay $0x1  }
0x2: {  	s1 =	srdreg.scid  }
0x3: {  	s0 =	sand.u32 $0x1, s1  }
0x4: {  	s18 =	sshll.u32 s0, $0xA;
	s2 =	sadd.s32 s3, s2  }
0x5: {  	s2 =	sadd.s32 s2, s18  }
0x6: {  	[smem:$0x3FC6] =	sst s2  }
0x7: {  	_ = 	snop  }
0x8: {  	s2 =	sld [smem:$0x3FD0];
	(tm) =	ssettm $0x1  }
0x9: {  	s19 =	sld [smem:$0x3FFB];
	_ =	sdelay $0x3  }
0xa: {  	_ =	strace s19  }
0xb: {  	s3 =	sld [smem:$0x3FFC];
	_ =	sdelay $0x3  }
0xc: {  	_ =	strace s3  }
0xd: {  	s3 =	sld [smem:$0x3FFD];
	_ =	sdelay $0x3  }
0xe: {  	_ =	strace s3  }
0xf: {  	_ =	strace $0x8FFFFFFF  }
0x10: {  	s20 =	sld [smem:$0x3FDB];
	_ =	sdelay $0x1  }
0x11: {  	s4 =	simm.s32 $_scs_section_size  }
0x12: {  	s5 =	simm.s32 $_size__tile_overlayer_lowered;
	s6 =	simm.s32 $_tile_overlayer_lowered  }
0x13: {  	s23 =	simm.s32 $0x1BFF;
	s22 =	sshll.u32 s6, $0x1;
	s3 =	sadd.s32 s4, s20  }
0x14: {  	s7 =	simm.s32 $0x0;
	s21 =	sshll.u32 s5, $0x1;
	s5 =	sadd.s32 s22, s3  }
0x15: {  	[timem:s7], [sflag:s23] =	dma.local [hbm:s5], s21  }
0x16: {  	_ =	swait.ge [sflag:s23], s21  }
0x17: {  	s4 =	ssub.s32 $0x0, s21;
	[sflag:s23] =	ssyncset.done $0x0  }
0x18: {  	[sflag:s23] =	ssyncadd.s32 s4;
	_ =	sdelay $0x1  }
0x19: {  	s24 =	simm.s32 $0x1B8B  }
0x1a: {  	_ =	swait.ge [sflag:s24], $0x1  }
0x1b: {  	[sflag:s24] =	ssyncset.done $0x0  }
0x1c: {  	s26 =	simm.s32 $0x1B8E;
	s25 =	sld [smem:$0x3FFE];
	[sflag:s24] =	ssyncadd.s32 $0xFFFFFFFF  }
0x1d: {  	s27 =	simm.s32 $execute0_lowered;
	[smem:$0x3FD2] =	sst s26  }
0x1e: {  	s5 =	sshll.u32 s27, $0x1;
	_ =	strace $0x80000049;
	[dreg:$0x1] =	wrdreg $0xFFFFFFFF  }
0x1f: {  	s28 =	simm.s32 $_size_execute0_lowered;
	s3 =	sadd.s32 s3, s5;
	[dreg:$0x0] =	wrdreg $0x0  }
0x20: {  	s5 =	sshll.u32 s28, $0x1;
	[dreg:$0x2] =	wrdreg s3  }
0x21: {  	[dreg:$0x3] =	wrdreg s5  }
0x22: {  	[dreg:$0x4] =	wrdreg $0xC0  }
0x23: {  	_ =	task [dreg:s7], $0x5FFFF  }
0x24: {  	[dreg:$0x1] =	wrdreg $0xFFFFFFFF  }
0x25: {  	[dreg:$0x0] =	wrdreg $0x60  }
0x26: {  	[dreg:$0x2] =	wrdreg s25  }
0x27: {  	[dreg:$0x3] =	wrdreg s2  }
0x28: {  	[dreg:$0x4] =	wrdreg $0x9  }
0x29: {  	_ =	task.clear_ibuf [dreg:s7], $0x5FFFF;
	_ =	strace $0x90000049  }
0x2a: {  	s29 =	simm.s32 $0x9;
	_ =	strace $0x8000004B  }
0x2b: {  	_ =	swait.ge [sflag:s29], $0x1  }
0x2c: {  	[sflag:s29] =	ssyncadd.s32 $0xFFFFFFFF  }
0x2d: {  	_ =	strace $0x9000004B  }
0x2e: {  	_ =	sfence  }
0x2f: {  	s30 =	sld [smem:$0x0];
	_ =	sdelay $0x2  }
0x30: {  	s31 =	sshll.u32 s1, $0xD;
	s1 =	sshrl.u32 s1, $0x2  }
0x31: {  	s3 =	sand.u32 $0x4000, s31;
	s1 =	sadd.s32 s1, s30  }
0x32: {  	s0 =	sor.u32 s3, s0;
	s1 =	sshll.u32 s1, $0x11  }
0x33: {  	s0 =	sor.u32 s1, s0  }
0x34: {  	s0 =	sadd.s32 $0x8F2B, s0  }
0x35: {  	[sflag:s0] =	ssyncadd.remote.s32 $0x1  }
0x36: {  	_ =	sfence.sel $0xFFFF  }
0x37: {  	[dreg:$0x0] =	wrdreg $0xFFFFFFFF;
	(pc) =	sbr.abs _section_cstart, $3  }
0x38: {  	[dreg:$0x1] =	wrdreg $0xFFFFFFFF  }
0x39: {  	_ =	task.clear_ibuf [dreg:s7], $0x2FFFF;
	_ =	strace $0x9FFFFFFF  }
0x3a: {  	(tm) =	ssettm $0x7FFFFFFF  }
0x3b: {  	_ =	shalt  }
tec
execute0_lowered:
.L_overlay_start_1:
0x0: {  	(tag) =	ssettag $0x1  }
0x1: {  	s0 =	srdreg.scid  }
0x2: {  	s1 =	sshll.u32 s0, $0x4  }
0x3: {  	s0 =	stileid.u32;
	s1 =	sand.u32 $0x10, s1  }
0x4: {  	s1 =	sor.u32 s0, s1  }
0x5: {  	s6 =	rddreg [dreg:$0x0];
	s4 =	simm.s32 $0x1;
	s2 =	sshll.u32 s1, $0x7  }
0x6: {  	s7 =	simm.s32 $0x2;
	s12 =	simm.s32 $0x0;
	s1 =	ssub.s32 $0x4000, s2  }
0x7: {  	s8 =	simm.s32 $0x20000;
	s13 =	simm.s32 $0x0;
	s3 =	sand.u32 $0xF80, s1  }
0x8: {  	s9 =	simm.s32 $0x0;
	s5 =	sshrl.u32 s1, $0xC;
	p0 =	sne.s32 s3, $0x0  }
.Ltmp0:
0x9: {  	s1 =	rddreg [dreg:$0x2];
	s4 =	simm.s32 @!p0 $0x0;
	(pc) =	sbr.rel .LBB1_1-.Ltmp0, $4  }
0xa: {  	s11 =	simm.s32 $0x0;
	s3 =	rddreg [dreg:$0x1];
	s5 =	sadd.s32 s4, s5  }
0xb: {  	_ =	strace $0x8000004A;
	s4 =	simm.s32 $0x1;
	s5 =	smul.u32 $0x1A, s5  }
0xc: {  	s6 =	sadd.s32 $0xE00, s6;
	s10 =	smov.u32 s2;
	[sflag:s4] =	ssyncpa.u1 $0x0  }
0xd: {  	p0 =	por $0x0, $0x0;
	[sflag:s7] =	ssyncpa.u1 $0x0;
	s7 =	sor.u32 $0x1, s5  }
.LBB1_4:
0xe: {  	s16 =	sshll.u32 s13, $0x3;
	s17 =	sand.u32 $0x78, s13  }
0xf: {  	s30 =	sand.u32 $0xF800, s13;
	s12 =	sshll.u32 s12, $0x10;
	s16 =	sand.u32 $0x3C00, s16  }
0x10: {  	s31 =	sand.u32 $0x7, s13;
	s16 =	sor.u32 s17, s16;
	s17 =	sadd.s32 s3, s30  }
0x11: {  	s13 =	sshll.u32 s31, $0x12;
	s16 =	sshrl.u32 s16, $0x3;
	s12 =	sadd.s32 s12, s17  }
0x12: {  	[tilespmem:s15+$0x0 ss:$0x81] =	vst.msk $0xffff, v0;
	s13 =	sor.u32 $0x400, s13;
	s12 =	sadd.s32 s16, s12  }
0x13: {  	[hbm4b:s12+s13] =	stream.strided.scatter [tilespmem:s14], [sflag:$0x2], $0x1000, s8, s13, $0x20;
	[tilespmem:$0x4040] =	vst v63  }
.LBB1_5:
0x14: {  	s14 =	sadd.s32 $0x1, s9  }
0x15: {  	s12 =	sadd.s32 $0x1000, s10;
	s16 =	smov.u32 s10;
	p2 =	sgt.s32 s14, $0x19  }
0x16: {  	s16 =	smov.u32 @p2 s12  }
0x17: {  	s14 =	simm.s32 @p2 $0x0;
	p2 =	sgt.s32 s16, $0x3FFF  }
0x18: {  	s16 =	smov.u32 @p2 s2;
	p2 =	sne.s32 s11, s7  }
.Ltmp1:
0x19: {  	p1 =	slt.u32 s11, $0x2;
	(pc) =	sbr.rel @!p2 .LBB1_6-.Ltmp1, $4  }
0x1a: {  	s15 =	simm.s32 @!p1 $0x2  }
0x1b: {  	s13 =	smov.u32 s10;
	p0 =	por !p0, !p0;
	_ =	swait.ge @!p1 [sflag:s15], $0x1000  }
0x1c: {  	s12 =	smov.u32 s9;
	[sflag:s15] =	ssyncset.done @!p1 $0x0;
	s9 =	smov.u32 s14  }
0x1d: {  	s11 =	sadd.s32 $0x1, s11;
	[sflag:s15] =	ssyncadd.s32 @!p1 $0xFFFFF000;
	s10 =	smov.u32 s16  }
.LBB1_1:
0x1e: {  	p1 =	sge.u32 s11, s5  }
0x1f: {  	s31 =	sadd.s32 $0xFFFFFFFF, s11;
	s14 =	sxor.u32 @!p1 $0xFFFFFFFF, s11  }
0x20: {  	s15 =	sshll.u32 @!p1 s10, $0x9;
	s16 =	sshll.u32 @!p1 s9, $0x4;
	s17 =	simm.s32 @!p1 $0x1000  }
0x21: {  	s14 =	sshll.u32 @!p1 s14, $0xC;
	s16 =	sand.u32 @!p1 $0x1F0, s16;
	s15 =	sadd.s32 @!p1 s6, s15  }
0x22: {  	s14 =	sand.u32 @!p1 $0x1000, s14;
	s15 =	sadd.s32 @!p1 s16, s15;
	s16 =	simm.s32 @!p1 $0x20  }
0x23: {  	[tilespmem:s14], [sflag:$0x1] =	stream.strided.gather @!p1 [hbm4b:s15+s16], $0x1000, s17, s16, $0x38;
	[tilespmem:$0x4040] =	vst v63  }
0x24: {  	p1 =	sge.u32 s31, s5  }
.Ltmp2:
0x25: {  	_ = 	snop;
	(pc) =	sbr.rel @p1 .LBB1_5-.Ltmp2, $1  }
0x26: {  	_ =	sdelay $0x3  }
0x27: {  	s14 =	simm.s32 $0x1  }
0x28: {  	_ =	swait.ge [sflag:s4], $0x1000;
	s14 =	simm.s32 @!p0 $0x0  }
0x29: {  	[sflag:s4] =	ssyncset.done $0x0;
	s15 =	sshll.u32 s14, $0xC  }
0x2a: {  	[sflag:s4] =	ssyncadd.s32 $0xFFFFF000;
	s18 =	sor.u32 $0x10, s15  }
0x2b: {  	s14 =	smul.u32 $0x4080, s14;
	v1 =	vld [tilespmem:s18+$0x0]  }
0x2c: {  	s30 =	sand.u32 $0x1, s11;
	v0 =	vld [tilespmem:s18+$0xFFFFFFF0]  }
0x2d: {  	s15 =	smul.u32 $0x4080, s30;
	s14 =	sshrl.u32 s14, $0x2  }
0x2e: {  	s16 =	sor.u32 $0x2000, s14  }
0x2f: {  	s31 =	sshrl.u32 s15, $0x2;
	s15 =	sadd.s32 $0x0, s16  }
0x30: {  	s17 =	simm.s32 $0x4;
	s18 =	sadd.s32 $0x20, s18;
	s14 =	sor.u32 $0x2000, s31;
	[tilespmem:s15+$0x810 ss:$0x81] =	vst.msk $0xffff, v1  }
.LBB1_3:
0x31: {  	v1 =	vld [tilespmem:s18+$0x0];
	p1 =	sne.s32 s17, $0x1FC;
	[tilespmem:s15+$0x0 ss:$0x81] =	vst.msk $0xffff, v0;
	s15 =	smov.u32 s17;
	s17 =	sadd.s32 $0x4, s17  }
.Ltmp3:
0x32: {  	v0 =	vld [tilespmem:s18+$0xFFFFFFF0];
	(pc) =	sbr.rel @p1 .LBB1_3-.Ltmp3, $4  }
0x33: {  	_ = 	snop  }
0x34: {  	s15 =	sshra.s32 s15, $0x2  }
0x35: {  	s15 =	sadd.s32 s15, s16  }
0x36: {  	s18 =	sadd.s32 $0x20, s18;
	[tilespmem:s15+$0x810 ss:$0x81] =	vst.msk $0xffff, v1  }
.Ltmp4:
0x37: {  	_ = 	snop;
	(pc) =	sbr.rel .LBB1_4-.Ltmp4, $1  }
0x38: {  	_ =	sdelay $0x3  }
.LBB1_6:
0x39: {  	_ =	sfence.sel $0x180000  }
0x3a: {  	s2 =	simm.s32 $0x1;
	[bflag:$0x0] =	sbarrier.arrive $0xFFFF  }
0x3b: {  	s31 =	simm.s32 $0x2;
	[sflag:s2] =	ssyncpa.u1 $0x1  }
0x3c: {  	[sflag:s31] =	ssyncpa.u1 $0x1  }
0x3d: {  	p0 =	sne.s32 s0, $0x0;
	_ =	strace $0x9000004A  }
0x3e: {  	s0 =	sadd.s32 @!p0 $0x100000, s1;
	[bflag:$0x2] =	sbarrier.arrive $0xFFFF  }
0x3f: {  	[sflag:s0] =	ssyncadd.tile.s32 @!p0 $0x1;
	_ =	shalt  }
.Lfunc_end1:
_tile_overlayer_lowered:
.L_overlay_start_2:
0x40: {  	(tag) =	ssettag $0x2  }
0x41: {  	s0 =	rddreg [dreg:$0x0];
	s2 =	stileid.u32  }
0x42: {  	s1 =	rddreg [dreg:$0x1];
	p0 =	sne.s32 s2, $0x0  }
0x43: {  	s3 =	rddreg [dreg:$0x2];
	[bflag:$0x3] =	sbarrier.arrive $0xFFFF;
	s2 =	simm.s32 @!p0 $0x1C01  }
0x44: {  	[timem:s3], [sflag:s2] =	dma.local @!p0 [hbm:s0], s1  }
0x45: {  	s0 =	simm.s32 @!p0 $0x1  }
0x46: {  	_ =	swait.ge @!p0 [sflag:s0], s1  }
0x47: {  	s1 =	ssub.s32 @!p0 $0x0, s1;
	[sflag:s0] =	ssyncset.done @!p0 $0x0  }
0x48: {  	[sflag:s0] =	ssyncadd.s32 @!p0 s1  }
0x49: {  	[bflag:$0x3] =	sbarrier.arrive $0xFFFF  }
0x4a: {  	_ =	shalt  }

</sc_bundles>
